<compile_context>
chip_gen: v7x
topology: tpu7x:2x2x1
jax: 0.10.2.dev20260603
libtpu: 0.0.44.dev20260713+nightly
codegen_flags: <defaults>
</compile_context>

<pallas_src>
import functools

import jax
import jax.numpy as jnp
from jax import lax
from jax.experimental import pallas as pl
from jax.experimental.pallas import tpu as pltpu
from jax.experimental.pallas import tpu_sc as plsc

N = 10000
E = 320000
IN_FEAT = 128
OUT_FEAT = 128
NUM_RELS = 8

NUM_CORES = 2
NUM_SUBCORES = 16
NW = NUM_CORES * NUM_SUBCORES
EPW = E // NW
CHUNK = 80
NCHUNK = EPW // CHUNK
NBUF = 3
NPAD = 10240
ROWS_PER_TILE = NPAD // NUM_SUBCORES

DST_BITS = 14

BM = 2000


def _h_body(x_ref, w_ref, b_ref, ei_ref, et_ref, o_ref, op_ref, oz_ref):
    o_ref[0] = (
        jnp.dot(x_ref[...], w_ref[0], preferred_element_type=jnp.float32)
        + b_ref[0]
    )

    @pl.when(pl.program_id(0) == 0)
    def _():
        op_ref[...] = ((et_ref[...] * N + ei_ref[0]) << DST_BITS) | ei_ref[1]
        oz_ref[...] = jnp.zeros((ROWS_PER_TILE, OUT_FEAT), jnp.float32)


def _transform_nodes(x, weight, bias, edge_index, edge_type):
    return pl.pallas_call(
        _h_body,
        grid=(NUM_RELS,),
        in_specs=[
            pl.BlockSpec((N, IN_FEAT), lambda r: (0, 0)),
            pl.BlockSpec((1, IN_FEAT, OUT_FEAT), lambda r: (r, 0, 0)),
            pl.BlockSpec((1, 1, OUT_FEAT), lambda r: (r, 0, 0)),
            pl.BlockSpec((2, E), lambda r: (0, 0)),
            pl.BlockSpec((E,), lambda r: (0,)),
        ],
        out_specs=[
            pl.BlockSpec((1, N, OUT_FEAT), lambda r: (r, 0, 0)),
            pl.BlockSpec((E,), lambda r: (0,)),
            pl.BlockSpec((ROWS_PER_TILE, OUT_FEAT), lambda r: (0, 0)),
        ],
        out_shape=[
            jax.ShapeDtypeStruct((NUM_RELS, N, OUT_FEAT), jnp.float32),
            jax.ShapeDtypeStruct((E,), jnp.int32),
            jax.ShapeDtypeStruct((ROWS_PER_TILE, OUT_FEAT), jnp.float32),
        ],
    )(x, weight, bias.reshape(NUM_RELS, 1, OUT_FEAT), edge_index, edge_type)


def _sc_body(table_hbm, packed_hbm, zeros_hbm, parts_hbm,
             pk_a, pk_b, pk_c, idx_a, dst_a, idx_b, dst_b, idx_c, dst_c,
             rows_a, rows_b, rows_c, acc_sh,
             gsem_a, gsem_b, gsem_c, ssem_a, ssem_b, ssem_c,
             psem_a, psem_b, psem_c):
    c = lax.axis_index("c")
    s = lax.axis_index("s")
    wid = c * NUM_SUBCORES + s
    base = wid * EPW

    def unpack(pbuf, idx_buf, dst_buf, n):
        for i in range(n // 16):
            p = pbuf[pl.ds(i * 16, 16)]
            idx_buf[pl.ds(i * 16, 16)] = p >> DST_BITS
            dst_buf[pl.ds(i * 16, 16)] = p & ((1 << DST_BITS) - 1)

    def wait_rows(buf, sem):
        pltpu.make_async_copy(table_hbm.at[pl.ds(0, CHUNK)], buf, sem).wait()

    def wait_pk(buf, sem):
        pltpu.make_async_copy(packed_hbm.at[pl.ds(0, CHUNK)], buf, sem).wait()

    pk = (pk_a, pk_b, pk_c)
    rows = (rows_a, rows_b, rows_c)
    idxb = (idx_a, idx_b, idx_c)
    dstb = (dst_a, dst_b, dst_c)
    gsem = (gsem_a, gsem_b, gsem_c)
    ssem = (ssem_a, ssem_b, ssem_c)
    psem = (psem_a, psem_b, psem_c)

    for t in range(NBUF):
        pltpu.async_copy(packed_hbm.at[pl.ds(base + t * CHUNK, CHUNK)],
                         pk[t], psem[t])
    pltpu.sync_copy(zeros_hbm, acc_sh.at[pl.ds(s * ROWS_PER_TILE, ROWS_PER_TILE)])
    plsc.subcore_barrier()

    def body(j, carry):
        for t in range(NBUF):
            c_fire = NBUF * j + t

            @pl.when(c_fire < NCHUNK)
            def _():
                @pl.when(c_fire >= NBUF)
                def _():
                    wait_rows(rows[t], ssem[t])

                wait_pk(pk[t], psem[t])
                unpack(pk[t], idxb[t], dstb[t], CHUNK)
                pltpu.async_copy(table_hbm.at[idxb[t]], rows[t], gsem[t])

                @pl.when(c_fire + NBUF < NCHUNK)
                def _():
                    pltpu.async_copy(
                        packed_hbm.at[pl.ds(base + (c_fire + NBUF) * CHUNK, CHUNK)],
                        pk[t], psem[t])

            c_ret = c_fire - (NBUF - 1)

            @pl.when((c_ret >= 0) & (c_ret < NCHUNK))
            def _():
                u = (t + 1) % NBUF
                wait_rows(rows[u], gsem[u])
                pltpu.async_copy(rows[u], acc_sh.at[dstb[u]], ssem[u], add=True)

        return carry

    lax.fori_loop(0, (NCHUNK + 2 * (NBUF - 1) + NBUF - 1) // NBUF, body, 0)
    for t in range(NBUF):
        wait_rows(rows[t], ssem[t])
    plsc.subcore_barrier()
    pltpu.sync_copy(
        acc_sh.at[pl.ds(s * ROWS_PER_TILE, ROWS_PER_TILE)],
        parts_hbm.at[c, pl.ds(s * ROWS_PER_TILE, ROWS_PER_TILE)],
    )


_sc_gather_scatter = functools.partial(
    pl.kernel,
    out_type=jax.ShapeDtypeStruct((NUM_CORES, NPAD, OUT_FEAT), jnp.float32),
    mesh=plsc.VectorSubcoreMesh(
        core_axis_name="c", subcore_axis_name="s",
        num_cores=NUM_CORES, num_subcores=NUM_SUBCORES,
    ),
    scratch_types=(
        [pltpu.VMEM((CHUNK,), jnp.int32)] * 9
        + [pltpu.VMEM((CHUNK, OUT_FEAT), jnp.float32)] * 3
        + [pltpu.VMEM_SHARED((NPAD, OUT_FEAT), jnp.float32)]
        + [pltpu.SemaphoreType.DMA] * 9
    ),
)(_sc_body)


def _add_body(p_ref, o_ref):
    o_ref[...] = p_ref[0] + p_ref[1]


def _merge_parts(parts):
    return pl.pallas_call(
        _add_body,
        grid=(N // BM,),
        in_specs=[pl.BlockSpec((NUM_CORES, BM, OUT_FEAT), lambda i: (0, i, 0))],
        out_specs=pl.BlockSpec((BM, OUT_FEAT), lambda i: (i, 0)),
        out_shape=jax.ShapeDtypeStruct((N, OUT_FEAT), jnp.float32),
    )(parts)


def kernel(x, edge_index, edge_type, weight, bias):
    h, packed, zeros = _transform_nodes(x, weight, bias, edge_index, edge_type)
    table = h.reshape(NUM_RELS * N, OUT_FEAT)
    parts = _sc_gather_scatter(table, packed, zeros)
    return _merge_parts(parts)

# --- scband reference (transcript-rebuilt; emitter-appended) ---
"""Pipeline reference for scband-message-module-60894046323228 (READ-ONLY COPY).

The authoritative reference and input builder live on the scoring server;
editing this copy changes nothing except your own understanding.
"""

import jax, jax.numpy as jnp
import numpy as np

N = 10000
E = 320000
IN_FEAT = 128
OUT_FEAT = 128
NUM_RELS = 8


def setup_inputs(seed: int = 0) -> dict:
    key = jax.random.key(seed)
    k1, k2, k3, k4, k5 = jax.random.split(key, 5)
    x = jax.random.normal(k1, (N, IN_FEAT), dtype=jnp.float32)
    edge_index = jax.random.randint(k2, (2, E), 0, N, dtype=jnp.int32)
    edge_type = jax.random.randint(k3, (E,), 0, NUM_RELS, dtype=jnp.int32)
    # message weight: nn.Parameter(num_bases=num_rels, in_feat, out_feat), xavier_uniform with relu gain
    gain = np.sqrt(2.0)
    limit = gain * np.sqrt(6.0 / (IN_FEAT + OUT_FEAT))
    weight = jax.random.uniform(k4, (NUM_RELS, IN_FEAT, OUT_FEAT), minval=-limit, maxval=limit, dtype=jnp.float32)
    # bias: nn.Parameter(num_rels, out_feat), uniform [0,1)
    bias = jax.random.uniform(k5, (NUM_RELS, OUT_FEAT), dtype=jnp.float32)
    return {"x": x, "edge_index": edge_index, "edge_type": edge_type, "weight": weight, "bias": bias}


def reference(x, edge_index, edge_type, weight, bias):
    # Faithful to Message_Module.compute with a single message layer
    # (message_hidden_layers=[], num_bases==num_rels, no noise/dropout,
    #  no activation since there is only one layer):
    #   msg[e] = x[src[e]] @ weight[edge_type[e]] + bias[edge_type[e]]
    # Mathematically identical reformulation that avoids materializing
    # a [E, in, out] per-edge weight tensor: transform all nodes under
    # every relation, then gather by (relation, src).
    src = edge_index[0]
    dst = edge_index[1]
    h = jnp.einsum('ni,rio->rno', x, weight)          # [R, N, OUT]
    msg = h[edge_type, src] + bias[edge_type]          # gather -> [E, OUT]
    # sum aggregation of messages at destination nodes (scatter-add)
    out = jax.ops.segment_sum(msg, dst, num_segments=N)
    return out

if __name__ == "__main__":
    import jax
    _d = setup_inputs()
    print(jax.jit(kernel)(*tuple(_d.values())))

</pallas_src>

<mosaic_0001>
#map = affine_map<(d0, d1) -> (0, 0)>
#map1 = affine_map<(d0, d1) -> (0)>
#map2 = affine_map<(d0, d1) -> (0, 0, 0)>
module attributes {stable_mosaic.version = 14 : i64} {
  func.func @_sc_body(%arg0: i32, %arg1: i32, %arg2: memref<80000x128xf32, #tpu.memory_space<hbm>>, %arg3: memref<320000xi32, #tpu.memory_space<hbm>>, %arg4: memref<640x128xf32, #tpu.memory_space<hbm>>, %arg5: memref<2x10240x128xf32, #tpu.memory_space<hbm>>, %arg6: memref<80xi32, #tpu.memory_space<vmem>>, %arg7: memref<80xi32, #tpu.memory_space<vmem>>, %arg8: memref<80xi32, #tpu.memory_space<vmem>>, %arg9: memref<80xi32, #tpu.memory_space<vmem>>, %arg10: memref<80xi32, #tpu.memory_space<vmem>>, %arg11: memref<80xi32, #tpu.memory_space<vmem>>, %arg12: memref<80xi32, #tpu.memory_space<vmem>>, %arg13: memref<80xi32, #tpu.memory_space<vmem>>, %arg14: memref<80xi32, #tpu.memory_space<vmem>>, %arg15: memref<80x128xf32, #tpu.memory_space<vmem>>, %arg16: memref<80x128xf32, #tpu.memory_space<vmem>>, %arg17: memref<80x128xf32, #tpu.memory_space<vmem>>, %arg18: memref<10240x128xf32, #tpu.memory_space<vmem_shared>>, %arg19: memref<!tpu.dma_semaphore, #tpu.memory_space<semaphore_mem>>, %arg20: memref<!tpu.dma_semaphore, #tpu.memory_space<semaphore_mem>>, %arg21: memref<!tpu.dma_semaphore, #tpu.memory_space<semaphore_mem>>, %arg22: memref<!tpu.dma_semaphore, #tpu.memory_space<semaphore_mem>>, %arg23: memref<!tpu.dma_semaphore, #tpu.memory_space<semaphore_mem>>, %arg24: memref<!tpu.dma_semaphore, #tpu.memory_space<semaphore_mem>>, %arg25: memref<!tpu.dma_semaphore, #tpu.memory_space<semaphore_mem>>, %arg26: memref<!tpu.dma_semaphore, #tpu.memory_space<semaphore_mem>>, %arg27: memref<!tpu.dma_semaphore, #tpu.memory_space<semaphore_mem>>) attributes {dimension_semantics = [#tpu.dimension_semantics<core_parallel>, #tpu.dimension_semantics<subcore_parallel>], iteration_bounds = array<i64: 2, 16>, scalar_prefetch = 0 : i64, scratch_operands = 22 : i64, tpu.core_type = #tpu.core_type<sc_vector_subcore>, window_params = [{transform_indices = #map}, {transform_indices = #map1}, {transform_indices = #map}, {transform_indices = #map2}]} {
    %mul3A = arith.constant 16 : i32
    %mul3A_0 = arith.muli %arg0, %mul3A : i32
    %add3A = arith.addi %mul3A_0, %arg1 : i32
    %mul3A_1 = arith.constant 10000 : i32
    %mul3A_2 = arith.muli %add3A, %mul3A_1 : i32
    %add3A_3 = arith.constant 0 : i32
    %add3A_4 = arith.addi %mul3A_2, %add3A_3 : i32
    %dma_start3A = tpu.memref_slice %arg3[%add3A_4] : memref<320000xi32, #tpu.memory_space<hbm>> -> memref<80xi32, #tpu.memory_space<hbm>>
    %dma_start3A_5 = tpu.memref_slice %arg3[%add3A_4] : memref<320000xi32, #tpu.memory_space<hbm>> -> memref<80xi32, #tpu.memory_space<hbm>>
    tpu.enqueue_dma source(%dma_start3A_5 : memref<80xi32, #tpu.memory_space<hbm>>) target(%arg6 : memref<80xi32, #tpu.memory_space<vmem>>) target_semaphore(%arg25 : memref<!tpu.dma_semaphore, #tpu.memory_space<semaphore_mem>>)
    %add3A_6 = arith.constant 80 : i32
    %add3A_7 = arith.addi %mul3A_2, %add3A_6 : i32
    %dma_start3A_8 = tpu.memref_slice %arg3[%add3A_7] : memref<320000xi32, #tpu.memory_space<hbm>> -> memref<80xi32, #tpu.memory_space<hbm>>
    %dma_start3A_9 = tpu.memref_slice %arg3[%add3A_7] : memref<320000xi32, #tpu.memory_space<hbm>> -> memref<80xi32, #tpu.memory_space<hbm>>
    tpu.enqueue_dma source(%dma_start3A_9 : memref<80xi32, #tpu.memory_space<hbm>>) target(%arg7 : memref<80xi32, #tpu.memory_space<vmem>>) target_semaphore(%arg26 : memref<!tpu.dma_semaphore, #tpu.memory_space<semaphore_mem>>)
    %add3A_10 = arith.constant 160 : i32
    %add3A_11 = arith.addi %mul3A_2, %add3A_10 : i32
    %dma_start3A_12 = tpu.memref_slice %arg3[%add3A_11] : memref<320000xi32, #tpu.memory_space<hbm>> -> memref<80xi32, #tpu.memory_space<hbm>>
    %dma_start3A_13 = tpu.memref_slice %arg3[%add3A_11] : memref<320000xi32, #tpu.memory_space<hbm>> -> memref<80xi32, #tpu.memory_space<hbm>>
    tpu.enqueue_dma source(%dma_start3A_13 : memref<80xi32, #tpu.memory_space<hbm>>) target(%arg8 : memref<80xi32, #tpu.memory_space<vmem>>) target_semaphore(%arg27 : memref<!tpu.dma_semaphore, #tpu.memory_space<semaphore_mem>>)
    %mul3A_14 = arith.constant 640 : i32
    %mul3A_15 = arith.muli %arg1, %mul3A_14 : i32
    "tpu.region"() ({
      %run_scoped3A = tpu.sem_alloc : memref<!tpu.dma_semaphore, #tpu.memory_space<semaphore_mem>>
      %dma_start3A_43 = arith.constant 0 : i32
      %dma_start3A_44 = tpu.memref_slice %arg18[%mul3A_15, %dma_start3A_43] : memref<10240x128xf32, #tpu.memory_space<vmem_shared>> -> memref<640x128xf32, #tpu.memory_space<vmem_shared>>
      tpu.enqueue_dma source(%arg4 : memref<640x128xf32, #tpu.memory_space<hbm>>) target(%dma_start3A_44 : memref<640x128xf32, #tpu.memory_space<vmem_shared>>) target_semaphore(%run_scoped3A : memref<!tpu.dma_semaphore, #tpu.memory_space<semaphore_mem>>)
      %dma_wait3A_45 = arith.constant 0 : i32
      %dma_wait3A_46 = tpu.memref_slice %arg18[%mul3A_15, %dma_wait3A_45] : memref<10240x128xf32, #tpu.memory_space<vmem_shared>> -> memref<640x128xf32, #tpu.memory_space<vmem_shared>>
      tpu.wait_dma2 semaphore(%run_scoped3A : memref<!tpu.dma_semaphore, #tpu.memory_space<semaphore_mem>>) src(%arg4 : memref<640x128xf32, #tpu.memory_space<hbm>>) dst(%dma_wait3A_46 : memref<640x128xf32, #tpu.memory_space<vmem_shared>>)
      tpu.yield
    }) : () -> ()
    %barrier3A = arith.constant 0 : index
    tpu.barrier barrier_id(%barrier3A)
    %scan3A = arith.constant 0 : i32
    %scan3A_16 = arith.constant 0 : i32
    %scan3A_17 = arith.constant 43 : i32
    %scan3A_18 = arith.addi %scan3A_16, %scan3A_17 : i32
    %scan3A_19 = arith.constant 1 : i32
    scf.for %scan3A_43 = %scan3A_16 to %scan3A_18 step %scan3A_19  : i32 {
      %mul3A_44 = arith.constant 3 : i32
      %mul3A_45 = arith.muli %mul3A_44, %scan3A_43 : i32
      %add3A_46 = arith.constant 0 : i32
      %add3A_47 = arith.addi %mul3A_45, %add3A_46 : i32
      %lt3A = arith.constant 125 : i32
      %lt3A_48 = arith.cmpi slt, %add3A_47, %lt3A : i32
      %convert_element_type3A = arith.extui %lt3A_48 : i1 to i32
      %cond3A = arith.constant 0 : i32
      %cond3A_49 = arith.cmpi ne, %convert_element_type3A, %cond3A : i32
      scf.if %cond3A_49 {
        %ge3A_95 = arith.constant 3 : i32
        %ge3A_96 = arith.cmpi sge, %add3A_47, %ge3A_95 : i32
        %convert_element_type3A_97 = arith.extui %ge3A_96 : i1 to i32
        %cond3A_98 = arith.constant 0 : i32
        %cond3A_99 = arith.cmpi ne, %convert_element_type3A_97, %cond3A_98 : i32
        scf.if %cond3A_99 {
          %dma_wait3A_196 = arith.constant 0 : i32
          %dma_wait3A_197 = arith.constant 0 : i32
          %dma_wait3A_198 = tpu.memref_slice %arg2[%dma_wait3A_196, %dma_wait3A_197] : memref<80000x128xf32, #tpu.memory_space<hbm>> -> memref<80x128xf32, #tpu.memory_space<hbm>>
          %dma_wait3A_199 = arith.constant 0 : i32
          %dma_wait3A_200 = arith.constant 0 : i32
          %dma_wait3A_201 = tpu.memref_slice %arg2[%dma_wait3A_199, %dma_wait3A_200] : memref<80000x128xf32, #tpu.memory_space<hbm>> -> memref<80x128xf32, #tpu.memory_space<hbm>>
          tpu.wait_dma2 semaphore(%arg22 : memref<!tpu.dma_semaphore, #tpu.memory_space<semaphore_mem>>) src(%dma_wait3A_201 : memref<80x128xf32, #tpu.memory_space<hbm>>) dst(%arg15 : memref<80x128xf32, #tpu.memory_space<vmem>>)
        } else {
        }
        %dma_wait3A_100 = arith.constant 0 : i32
        %dma_wait3A_101 = tpu.memref_slice %arg3[%dma_wait3A_100] : memref<320000xi32, #tpu.memory_space<hbm>> -> memref<80xi32, #tpu.memory_space<hbm>>
        %dma_wait3A_102 = arith.constant 0 : i32
        %dma_wait3A_103 = tpu.memref_slice %arg3[%dma_wait3A_102] : memref<320000xi32, #tpu.memory_space<hbm>> -> memref<80xi32, #tpu.memory_space<hbm>>
        tpu.wait_dma2 semaphore(%arg25 : memref<!tpu.dma_semaphore, #tpu.memory_space<semaphore_mem>>) src(%dma_wait3A_103 : memref<80xi32, #tpu.memory_space<hbm>>) dst(%arg6 : memref<80xi32, #tpu.memory_space<vmem>>)
        %get3A = arith.constant 0 : index
        %get3A_104 = tpu.vector_load %arg6[%get3A] {strides = array<i32>} : memref<80xi32, #tpu.memory_space<vmem>>, vector<16xi32>,
        %get3A_105 = vector.shape_cast %get3A_104 : vector<16xi32> to vector<16xi32>
        %shift_right_arithmetic3A = arith.constant 14 : i32
        %shift_right_arithmetic3A_106 = vector.broadcast %shift_right_arithmetic3A : i32 to vector<16xi32>
        %shift_right_arithmetic3A_107 = arith.shrsi %get3A_105, %shift_right_arithmetic3A_106 : vector<16xi32>
        %swap3A = arith.constant 0 : index
        %swap3A_108 = tpu.vector_load %arg9[%swap3A] {strides = array<i32>} : memref<80xi32, #tpu.memory_space<vmem>>, vector<16xi32>,
        %swap3A_109 = vector.shape_cast %swap3A_108 : vector<16xi32> to vector<16xi32>
        %swap3A_110 = vector.shape_cast %shift_right_arithmetic3A_107 : vector<16xi32> to vector<16xi32>
        tpu.vector_store %arg9[%swap3A], %swap3A_110 {strides = array<i32>} : memref<80xi32, #tpu.memory_space<vmem>>, vector<16xi32>,
        %and3A_111 = arith.constant 16383 : i32
        %and3A_112 = vector.broadcast %and3A_111 : i32 to vector<16xi32>
        %and3A_113 = arith.andi %get3A_105, %and3A_112 : vector<16xi32>
        %swap3A_114 = arith.constant 0 : index
        %swap3A_115 = tpu.vector_load %arg10[%swap3A_114] {strides = array<i32>} : memref<80xi32, #tpu.memory_space<vmem>>, vector<16xi32>,
        %swap3A_116 = vector.shape_cast %swap3A_115 : vector<16xi32> to vector<16xi32>
        %swap3A_117 = vector.shape_cast %and3A_113 : vector<16xi32> to vector<16xi32>
        tpu.vector_store %arg10[%swap3A_114], %swap3A_117 {strides = array<i32>} : memref<80xi32, #tpu.memory_space<vmem>>, vector<16xi32>,
        %get3A_118 = arith.constant 16 : index
        %get3A_119 = tpu.vector_load %arg6[%get3A_118] {strides = array<i32>} : memref<80xi32, #tpu.memory_space<vmem>>, vector<16xi32>,
        %get3A_120 = vector.shape_cast %get3A_119 : vector<16xi32> to vector<16xi32>
        %shift_right_arithmetic3A_121 = arith.constant 14 : i32
        %shift_right_arithmetic3A_122 = vector.broadcast %shift_right_arithmetic3A_121 : i32 to vector<16xi32>
        %shift_right_arithmetic3A_123 = arith.shrsi %get3A_120, %shift_right_arithmetic3A_122 : vector<16xi32>
        %swap3A_124 = arith.constant 16 : index
        %swap3A_125 = tpu.vector_load %arg9[%swap3A_124] {strides = array<i32>} : memref<80xi32, #tpu.memory_space<vmem>>, vector<16xi32>,
        %swap3A_126 = vector.shape_cast %swap3A_125 : vector<16xi32> to vector<16xi32>
        %swap3A_127 = vector.shape_cast %shift_right_arithmetic3A_123 : vector<16xi32> to vector<16xi32>
        tpu.vector_store %arg9[%swap3A_124], %swap3A_127 {strides = array<i32>} : memref<80xi32, #tpu.memory_space<vmem>>, vector<16xi32>,
        %and3A_128 = arith.constant 16383 : i32
        %and3A_129 = vector.broadcast %and3A_128 : i32 to vector<16xi32>
        %and3A_130 = arith.andi %get3A_120, %and3A_129 : vector<16xi32>
        %swap3A_131 = arith.constant 16 : index
        %swap3A_132 = tpu.vector_load %arg10[%swap3A_131] {strides = array<i32>} : memref<80xi32, #tpu.memory_space<vmem>>, vector<16xi32>,
        %swap3A_133 = vector.shape_cast %swap3A_132 : vector<16xi32> to vector<16xi32>
        %swap3A_134 = vector.shape_cast %and3A_130 : vector<16xi32> to vector<16xi32>
        tpu.vector_store %arg10[%swap3A_131], %swap3A_134 {strides = array<i32>} : memref<80xi32, #tpu.memory_space<vmem>>, vector<16xi32>,
        %get3A_135 = arith.constant 32 : index
        %get3A_136 = tpu.vector_load %arg6[%get3A_135] {strides = array<i32>} : memref<80xi32, #tpu.memory_space<vmem>>, vector<16xi32>,
        %get3A_137 = vector.shape_cast %get3A_136 : vector<16xi32> to vector<16xi32>
        %shift_right_arithmetic3A_138 = arith.constant 14 : i32
        %shift_right_arithmetic3A_139 = vector.broadcast %shift_right_arithmetic3A_138 : i32 to vector<16xi32>
        %shift_right_arithmetic3A_140 = arith.shrsi %get3A_137, %shift_right_arithmetic3A_139 : vector<16xi32>
        %swap3A_141 = arith.constant 32 : index
        %swap3A_142 = tpu.vector_load %arg9[%swap3A_141] {strides = array<i32>} : memref<80xi32, #tpu.memory_space<vmem>>, vector<16xi32>,
        %swap3A_143 = vector.shape_cast %swap3A_142 : vector<16xi32> to vector<16xi32>
        %swap3A_144 = vector.shape_cast %shift_right_arithmetic3A_140 : vector<16xi32> to vector<16xi32>
        tpu.vector_store %arg9[%swap3A_141], %swap3A_144 {strides = array<i32>} : memref<80xi32, #tpu.memory_space<vmem>>, vector<16xi32>,
        %and3A_145 = arith.constant 16383 : i32
        %and3A_146 = vector.broadcast %and3A_145 : i32 to vector<16xi32>
        %and3A_147 = arith.andi %get3A_137, %and3A_146 : vector<16xi32>
        %swap3A_148 = arith.constant 32 : index
        %swap3A_149 = tpu.vector_load %arg10[%swap3A_148] {strides = array<i32>} : memref<80xi32, #tpu.memory_space<vmem>>, vector<16xi32>,
        %swap3A_150 = vector.shape_cast %swap3A_149 : vector<16xi32> to vector<16xi32>
        %swap3A_151 = vector.shape_cast %and3A_147 : vector<16xi32> to vector<16xi32>
        tpu.vector_store %arg10[%swap3A_148], %swap3A_151 {strides = array<i32>} : memref<80xi32, #tpu.memory_space<vmem>>, vector<16xi32>,
        %get3A_152 = arith.constant 48 : index
        %get3A_153 = tpu.vector_load %arg6[%get3A_152] {strides = array<i32>} : memref<80xi32, #tpu.memory_space<vmem>>, vector<16xi32>,
        %get3A_154 = vector.shape_cast %get3A_153 : vector<16xi32> to vector<16xi32>
        %shift_right_arithmetic3A_155 = arith.constant 14 : i32
        %shift_right_arithmetic3A_156 = vector.broadcast %shift_right_arithmetic3A_155 : i32 to vector<16xi32>
        %shift_right_arithmetic3A_157 = arith.shrsi %get3A_154, %shift_right_arithmetic3A_156 : vector<16xi32>
        %swap3A_158 = arith.constant 48 : index
        %swap3A_159 = tpu.vector_load %arg9[%swap3A_158] {strides = array<i32>} : memref<80xi32, #tpu.memory_space<vmem>>, vector<16xi32>,
        %swap3A_160 = vector.shape_cast %swap3A_159 : vector<16xi32> to vector<16xi32>
        %swap3A_161 = vector.shape_cast %shift_right_arithmetic3A_157 : vector<16xi32> to vector<16xi32>
        tpu.vector_store %arg9[%swap3A_158], %swap3A_161 {strides = array<i32>} : memref<80xi32, #tpu.memory_space<vmem>>, vector<16xi32>,
        %and3A_162 = arith.constant 16383 : i32
        %and3A_163 = vector.broadcast %and3A_162 : i32 to vector<16xi32>
        %and3A_164 = arith.andi %get3A_154, %and3A_163 : vector<16xi32>
        %swap3A_165 = arith.constant 48 : index
        %swap3A_166 = tpu.vector_load %arg10[%swap3A_165] {strides = array<i32>} : memref<80xi32, #tpu.memory_space<vmem>>, vector<16xi32>,
        %swap3A_167 = vector.shape_cast %swap3A_166 : vector<16xi32> to vector<16xi32>
        %swap3A_168 = vector.shape_cast %and3A_164 : vector<16xi32> to vector<16xi32>
        tpu.vector_store %arg10[%swap3A_165], %swap3A_168 {strides = array<i32>} : memref<80xi32, #tpu.memory_space<vmem>>, vector<16xi32>,
        %get3A_169 = arith.constant 64 : index
        %get3A_170 = tpu.vector_load %arg6[%get3A_169] {strides = array<i32>} : memref<80xi32, #tpu.memory_space<vmem>>, vector<16xi32>,
        %get3A_171 = vector.shape_cast %get3A_170 : vector<16xi32> to vector<16xi32>
        %shift_right_arithmetic3A_172 = arith.constant 14 : i32
        %shift_right_arithmetic3A_173 = vector.broadcast %shift_right_arithmetic3A_172 : i32 to vector<16xi32>
        %shift_right_arithmetic3A_174 = arith.shrsi %get3A_171, %shift_right_arithmetic3A_173 : vector<16xi32>
        %swap3A_175 = arith.constant 64 : index
        %swap3A_176 = tpu.vector_load %arg9[%swap3A_175] {strides = array<i32>} : memref<80xi32, #tpu.memory_space<vmem>>, vector<16xi32>,
        %swap3A_177 = vector.shape_cast %swap3A_176 : vector<16xi32> to vector<16xi32>
        %swap3A_178 = vector.shape_cast %shift_right_arithmetic3A_174 : vector<16xi32> to vector<16xi32>
        tpu.vector_store %arg9[%swap3A_175], %swap3A_178 {strides = array<i32>} : memref<80xi32, #tpu.memory_space<vmem>>, vector<16xi32>,
        %and3A_179 = arith.constant 16383 : i32
        %and3A_180 = vector.broadcast %and3A_179 : i32 to vector<16xi32>
        %and3A_181 = arith.andi %get3A_171, %and3A_180 : vector<16xi32>
        %swap3A_182 = arith.constant 64 : index
        %swap3A_183 = tpu.vector_load %arg10[%swap3A_182] {strides = array<i32>} : memref<80xi32, #tpu.memory_space<vmem>>, vector<16xi32>,
        %swap3A_184 = vector.shape_cast %swap3A_183 : vector<16xi32> to vector<16xi32>
        %swap3A_185 = vector.shape_cast %and3A_181 : vector<16xi32> to vector<16xi32>
        tpu.vector_store %arg10[%swap3A_182], %swap3A_185 {strides = array<i32>} : memref<80xi32, #tpu.memory_space<vmem>>, vector<16xi32>,
        %dma_start3A_186 = arith.constant 0 : i32
        %dma_start3A_187 = arith.constant 0 : i32
        %dma_start3A_188 = tpu.memref_slice %arg2[%dma_start3A_186, %dma_start3A_187] : memref<80000x128xf32, #tpu.memory_space<hbm>> -> memref<80000x128xf32, #tpu.memory_space<hbm>>
        tpu.enqueue_indirect_dma source(%dma_start3A_188 : memref<80000x128xf32, #tpu.memory_space<hbm>>) target(%arg15 : memref<80x128xf32, #tpu.memory_space<vmem>>) offsets(%arg9 : memref<80xi32, #tpu.memory_space<vmem>>) semaphore(%arg19 : memref<!tpu.dma_semaphore, #tpu.memory_space<semaphore_mem>>)
        %add3A_189 = arith.constant 3 : i32
        %add3A_190 = arith.addi %add3A_47, %add3A_189 : i32
        %lt3A_191 = arith.constant 125 : i32
        %lt3A_192 = arith.cmpi slt, %add3A_190, %lt3A_191 : i32
        %convert_element_type3A_193 = arith.extui %lt3A_192 : i1 to i32
        %cond3A_194 = arith.constant 0 : i32
        %cond3A_195 = arith.cmpi ne, %convert_element_type3A_193, %cond3A_194 : i32
        scf.if %cond3A_195 {
          %add3A_196 = arith.constant 3 : i32
          %add3A_197 = arith.addi %add3A_47, %add3A_196 : i32
          %mul3A_198 = arith.constant 80 : i32
          %mul3A_199 = arith.muli %add3A_197, %mul3A_198 : i32
          %add3A_200 = arith.addi %mul3A_2, %mul3A_199 : i32
          %dma_start3A_201 = tpu.memref_slice %arg3[%add3A_200] : memref<320000xi32, #tpu.memory_space<hbm>> -> memref<80xi32, #tpu.memory_space<hbm>>
          %dma_start3A_202 = tpu.memref_slice %arg3[%add3A_200] : memref<320000xi32, #tpu.memory_space<hbm>> -> memref<80xi32, #tpu.memory_space<hbm>>
          tpu.enqueue_dma source(%dma_start3A_202 : memref<80xi32, #tpu.memory_space<hbm>>) target(%arg6 : memref<80xi32, #tpu.memory_space<vmem>>) target_semaphore(%arg25 : memref<!tpu.dma_semaphore, #tpu.memory_space<semaphore_mem>>)
        } else {
        }
      } else {
      }
      %sub3A = arith.constant 2 : i32
      %sub3A_50 = arith.subi %add3A_47, %sub3A : i32
      %ge3A = arith.constant 0 : i32
      %ge3A_51 = arith.cmpi sge, %sub3A_50, %ge3A : i32
      %lt3A_52 = arith.constant 125 : i32
      %lt3A_53 = arith.cmpi slt, %sub3A_50, %lt3A_52 : i32
      %and3A = arith.andi %ge3A_51, %lt3A_53 : i1
      %convert_element_type3A_54 = arith.extui %and3A : i1 to i32
      %cond3A_55 = arith.constant 0 : i32
      %cond3A_56 = arith.cmpi ne, %convert_element_type3A_54, %cond3A_55 : i32
      scf.if %cond3A_56 {
        %dma_wait3A_95 = arith.constant 0 : i32
        %dma_wait3A_96 = arith.constant 0 : i32
        %dma_wait3A_97 = tpu.memref_slice %arg2[%dma_wait3A_95, %dma_wait3A_96] : memref<80000x128xf32, #tpu.memory_space<hbm>> -> memref<80x128xf32, #tpu.memory_space<hbm>>
        %dma_wait3A_98 = arith.constant 0 : i32
        %dma_wait3A_99 = arith.constant 0 : i32
        %dma_wait3A_100 = tpu.memref_slice %arg2[%dma_wait3A_98, %dma_wait3A_99] : memref<80000x128xf32, #tpu.memory_space<hbm>> -> memref<80x128xf32, #tpu.memory_space<hbm>>
        tpu.wait_dma2 semaphore(%arg20 : memref<!tpu.dma_semaphore, #tpu.memory_space<semaphore_mem>>) src(%dma_wait3A_100 : memref<80x128xf32, #tpu.memory_space<hbm>>) dst(%arg16 : memref<80x128xf32, #tpu.memory_space<vmem>>)
        %dma_start3A_101 = arith.constant 0 : i32
        %dma_start3A_102 = arith.constant 0 : i32
        %dma_start3A_103 = tpu.memref_slice %arg18[%dma_start3A_101, %dma_start3A_102] : memref<10240x128xf32, #tpu.memory_space<vmem_shared>> -> memref<10240x128xf32, #tpu.memory_space<vmem_shared>>
        tpu.enqueue_indirect_dma source(%arg16 : memref<80x128xf32, #tpu.memory_space<vmem>>) target(%dma_start3A_103 : memref<10240x128xf32, #tpu.memory_space<vmem_shared>>) offsets(%arg12 : memref<80xi32, #tpu.memory_space<vmem>>) semaphore(%arg23 : memref<!tpu.dma_semaphore, #tpu.memory_space<semaphore_mem>>) {add = true}
      } else {
      }
      %mul3A_57 = arith.constant 3 : i32
      %mul3A_58 = arith.muli %mul3A_57, %scan3A_43 : i32
      %add3A_59 = arith.constant 1 : i32
      %add3A_60 = arith.addi %mul3A_58, %add3A_59 : i32
      %lt3A_61 = arith.constant 125 : i32
      %lt3A_62 = arith.cmpi slt, %add3A_60, %lt3A_61 : i32
      %convert_element_type3A_63 = arith.extui %lt3A_62 : i1 to i32
      %cond3A_64 = arith.constant 0 : i32
      %cond3A_65 = arith.cmpi ne, %convert_element_type3A_63, %cond3A_64 : i32
      scf.if %cond3A_65 {
        %ge3A_95 = arith.constant 3 : i32
        %ge3A_96 = arith.cmpi sge, %add3A_60, %ge3A_95 : i32
        %convert_element_type3A_97 = arith.extui %ge3A_96 : i1 to i32
        %cond3A_98 = arith.constant 0 : i32
        %cond3A_99 = arith.cmpi ne, %convert_element_type3A_97, %cond3A_98 : i32
        scf.if %cond3A_99 {
          %dma_wait3A_196 = arith.constant 0 : i32
          %dma_wait3A_197 = arith.constant 0 : i32
          %dma_wait3A_198 = tpu.memref_slice %arg2[%dma_wait3A_196, %dma_wait3A_197] : memref<80000x128xf32, #tpu.memory_space<hbm>> -> memref<80x128xf32, #tpu.memory_space<hbm>>
          %dma_wait3A_199 = arith.constant 0 : i32
          %dma_wait3A_200 = arith.constant 0 : i32
          %dma_wait3A_201 = tpu.memref_slice %arg2[%dma_wait3A_199, %dma_wait3A_200] : memref<80000x128xf32, #tpu.memory_space<hbm>> -> memref<80x128xf32, #tpu.memory_space<hbm>>
          tpu.wait_dma2 semaphore(%arg23 : memref<!tpu.dma_semaphore, #tpu.memory_space<semaphore_mem>>) src(%dma_wait3A_201 : memref<80x128xf32, #tpu.memory_space<hbm>>) dst(%arg16 : memref<80x128xf32, #tpu.memory_space<vmem>>)
        } else {
        }
        %dma_wait3A_100 = arith.constant 0 : i32
        %dma_wait3A_101 = tpu.memref_slice %arg3[%dma_wait3A_100] : memref<320000xi32, #tpu.memory_space<hbm>> -> memref<80xi32, #tpu.memory_space<hbm>>
        %dma_wait3A_102 = arith.constant 0 : i32
        %dma_wait3A_103 = tpu.memref_slice %arg3[%dma_wait3A_102] : memref<320000xi32, #tpu.memory_space<hbm>> -> memref<80xi32, #tpu.memory_space<hbm>>
        tpu.wait_dma2 semaphore(%arg26 : memref<!tpu.dma_semaphore, #tpu.memory_space<semaphore_mem>>) src(%dma_wait3A_103 : memref<80xi32, #tpu.memory_space<hbm>>) dst(%arg7 : memref<80xi32, #tpu.memory_space<vmem>>)
        %get3A = arith.constant 0 : index
        %get3A_104 = tpu.vector_load %arg7[%get3A] {strides = array<i32>} : memref<80xi32, #tpu.memory_space<vmem>>, vector<16xi32>,
        %get3A_105 = vector.shape_cast %get3A_104 : vector<16xi32> to vector<16xi32>
        %shift_right_arithmetic3A = arith.constant 14 : i32
        %shift_right_arithmetic3A_106 = vector.broadcast %shift_right_arithmetic3A : i32 to vector<16xi32>
        %shift_right_arithmetic3A_107 = arith.shrsi %get3A_105, %shift_right_arithmetic3A_106 : vector<16xi32>
        %swap3A = arith.constant 0 : index
        %swap3A_108 = tpu.vector_load %arg11[%swap3A] {strides = array<i32>} : memref<80xi32, #tpu.memory_space<vmem>>, vector<16xi32>,
        %swap3A_109 = vector.shape_cast %swap3A_108 : vector<16xi32> to vector<16xi32>
        %swap3A_110 = vector.shape_cast %shift_right_arithmetic3A_107 : vector<16xi32> to vector<16xi32>
        tpu.vector_store %arg11[%swap3A], %swap3A_110 {strides = array<i32>} : memref<80xi32, #tpu.memory_space<vmem>>, vector<16xi32>,
        %and3A_111 = arith.constant 16383 : i32
        %and3A_112 = vector.broadcast %and3A_111 : i32 to vector<16xi32>
        %and3A_113 = arith.andi %get3A_105, %and3A_112 : vector<16xi32>
        %swap3A_114 = arith.constant 0 : index
        %swap3A_115 = tpu.vector_load %arg12[%swap3A_114] {strides = array<i32>} : memref<80xi32, #tpu.memory_space<vmem>>, vector<16xi32>,
        %swap3A_116 = vector.shape_cast %swap3A_115 : vector<16xi32> to vector<16xi32>
        %swap3A_117 = vector.shape_cast %and3A_113 : vector<16xi32> to vector<16xi32>
        tpu.vector_store %arg12[%swap3A_114], %swap3A_117 {strides = array<i32>} : memref<80xi32, #tpu.memory_space<vmem>>, vector<16xi32>,
        %get3A_118 = arith.constant 16 : index
        %get3A_119 = tpu.vector_load %arg7[%get3A_118] {strides = array<i32>} : memref<80xi32, #tpu.memory_space<vmem>>, vector<16xi32>,
        %get3A_120 = vector.shape_cast %get3A_119 : vector<16xi32> to vector<16xi32>
        %shift_right_arithmetic3A_121 = arith.constant 14 : i32
        %shift_right_arithmetic3A_122 = vector.broadcast %shift_right_arithmetic3A_121 : i32 to vector<16xi32>
        %shift_right_arithmetic3A_123 = arith.shrsi %get3A_120, %shift_right_arithmetic3A_122 : vector<16xi32>
        %swap3A_124 = arith.constant 16 : index
        %swap3A_125 = tpu.vector_load %arg11[%swap3A_124] {strides = array<i32>} : memref<80xi32, #tpu.memory_space<vmem>>, vector<16xi32>,
        %swap3A_126 = vector.shape_cast %swap3A_125 : vector<16xi32> to vector<16xi32>
        %swap3A_127 = vector.shape_cast %shift_right_arithmetic3A_123 : vector<16xi32> to vector<16xi32>
        tpu.vector_store %arg11[%swap3A_124], %swap3A_127 {strides = array<i32>} : memref<80xi32, #tpu.memory_space<vmem>>, vector<16xi32>,
        %and3A_128 = arith.constant 16383 : i32
        %and3A_129 = vector.broadcast %and3A_128 : i32 to vector<16xi32>
        %and3A_130 = arith.andi %get3A_120, %and3A_129 : vector<16xi32>
        %swap3A_131 = arith.constant 16 : index
        %swap3A_132 = tpu.vector_load %arg12[%swap3A_131] {strides = array<i32>} : memref<80xi32, #tpu.memory_space<vmem>>, vector<16xi32>,
        %swap3A_133 = vector.shape_cast %swap3A_132 : vector<16xi32> to vector<16xi32>
        %swap3A_134 = vector.shape_cast %and3A_130 : vector<16xi32> to vector<16xi32>
        tpu.vector_store %arg12[%swap3A_131], %swap3A_134 {strides = array<i32>} : memref<80xi32, #tpu.memory_space<vmem>>, vector<16xi32>,
        %get3A_135 = arith.constant 32 : index
        %get3A_136 = tpu.vector_load %arg7[%get3A_135] {strides = array<i32>} : memref<80xi32, #tpu.memory_space<vmem>>, vector<16xi32>,
        %get3A_137 = vector.shape_cast %get3A_136 : vector<16xi32> to vector<16xi32>
        %shift_right_arithmetic3A_138 = arith.constant 14 : i32
        %shift_right_arithmetic3A_139 = vector.broadcast %shift_right_arithmetic3A_138 : i32 to vector<16xi32>
        %shift_right_arithmetic3A_140 = arith.shrsi %get3A_137, %shift_right_arithmetic3A_139 : vector<16xi32>
        %swap3A_141 = arith.constant 32 : index
        %swap3A_142 = tpu.vector_load %arg11[%swap3A_141] {strides = array<i32>} : memref<80xi32, #tpu.memory_space<vmem>>, vector<16xi32>,
        %swap3A_143 = vector.shape_cast %swap3A_142 : vector<16xi32> to vector<16xi32>
        %swap3A_144 = vector.shape_cast %shift_right_arithmetic3A_140 : vector<16xi32> to vector<16xi32>
        tpu.vector_store %arg11[%swap3A_141], %swap3A_144 {strides = array<i32>} : memref<80xi32, #tpu.memory_space<vmem>>, vector<16xi32>,
        %and3A_145 = arith.constant 16383 : i32
        %and3A_146 = vector.broadcast %and3A_145 : i32 to vector<16xi32>
        %and3A_147 = arith.andi %get3A_137, %and3A_146 : vector<16xi32>
        %swap3A_148 = arith.constant 32 : index
        %swap3A_149 = tpu.vector_load %arg12[%swap3A_148] {strides = array<i32>} : memref<80xi32, #tpu.memory_space<vmem>>, vector<16xi32>,
        %swap3A_150 = vector.shape_cast %swap3A_149 : vector<16xi32> to vector<16xi32>
        %swap3A_151 = vector.shape_cast %and3A_147 : vector<16xi32> to vector<16xi32>
        tpu.vector_store %arg12[%swap3A_148], %swap3A_151 {strides = array<i32>} : memref<80xi32, #tpu.memory_space<vmem>>, vector<16xi32>,
        %get3A_152 = arith.constant 48 : index
        %get3A_153 = tpu.vector_load %arg7[%get3A_152] {strides = array<i32>} : memref<80xi32, #tpu.memory_space<vmem>>, vector<16xi32>,
        %get3A_154 = vector.shape_cast %get3A_153 : vector<16xi32> to vector<16xi32>
        %shift_right_arithmetic3A_155 = arith.constant 14 : i32
        %shift_right_arithmetic3A_156 = vector.broadcast %shift_right_arithmetic3A_155 : i32 to vector<16xi32>
        %shift_right_arithmetic3A_157 = arith.shrsi %get3A_154, %shift_right_arithmetic3A_156 : vector<16xi32>
        %swap3A_158 = arith.constant 48 : index
        %swap3A_159 = tpu.vector_load %arg11[%swap3A_158] {strides = array<i32>} : memref<80xi32, #tpu.memory_space<vmem>>, vector<16xi32>,
        %swap3A_160 = vector.shape_cast %swap3A_159 : vector<16xi32> to vector<16xi32>
        %swap3A_161 = vector.shape_cast %shift_right_arithmetic3A_157 : vector<16xi32> to vector<16xi32>
        tpu.vector_store %arg11[%swap3A_158], %swap3A_161 {strides = array<i32>} : memref<80xi32, #tpu.memory_space<vmem>>, vector<16xi32>,
        %and3A_162 = arith.constant 16383 : i32
        %and3A_163 = vector.broadcast %and3A_162 : i32 to vector<16xi32>
        %and3A_164 = arith.andi %get3A_154, %and3A_163 : vector<16xi32>
        %swap3A_165 = arith.constant 48 : index
        %swap3A_166 = tpu.vector_load %arg12[%swap3A_165] {strides = array<i32>} : memref<80xi32, #tpu.memory_space<vmem>>, vector<16xi32>,
        %swap3A_167 = vector.shape_cast %swap3A_166 : vector<16xi32> to vector<16xi32>
        %swap3A_168 = vector.shape_cast %and3A_164 : vector<16xi32> to vector<16xi32>
        tpu.vector_store %arg12[%swap3A_165], %swap3A_168 {strides = array<i32>} : memref<80xi32, #tpu.memory_space<vmem>>, vector<16xi32>,
        %get3A_169 = arith.constant 64 : index
        %get3A_170 = tpu.vector_load %arg7[%get3A_169] {strides = array<i32>} : memref<80xi32, #tpu.memory_space<vmem>>, vector<16xi32>,
        %get3A_171 = vector.shape_cast %get3A_170 : vector<16xi32> to vector<16xi32>
        %shift_right_arithmetic3A_172 = arith.constant 14 : i32
        %shift_right_arithmetic3A_173 = vector.broadcast %shift_right_arithmetic3A_172 : i32 to vector<16xi32>
        %shift_right_arithmetic3A_174 = arith.shrsi %get3A_171, %shift_right_arithmetic3A_173 : vector<16xi32>
        %swap3A_175 = arith.constant 64 : index
        %swap3A_176 = tpu.vector_load %arg11[%swap3A_175] {strides = array<i32>} : memref<80xi32, #tpu.memory_space<vmem>>, vector<16xi32>,
        %swap3A_177 = vector.shape_cast %swap3A_176 : vector<16xi32> to vector<16xi32>
        %swap3A_178 = vector.shape_cast %shift_right_arithmetic3A_174 : vector<16xi32> to vector<16xi32>
        tpu.vector_store %arg11[%swap3A_175], %swap3A_178 {strides = array<i32>} : memref<80xi32, #tpu.memory_space<vmem>>, vector<16xi32>,
        %and3A_179 = arith.constant 16383 : i32
        %and3A_180 = vector.broadcast %and3A_179 : i32 to vector<16xi32>
        %and3A_181 = arith.andi %get3A_171, %and3A_180 : vector<16xi32>
        %swap3A_182 = arith.constant 64 : index
        %swap3A_183 = tpu.vector_load %arg12[%swap3A_182] {strides = array<i32>} : memref<80xi32, #tpu.memory_space<vmem>>, vector<16xi32>,
        %swap3A_184 = vector.shape_cast %swap3A_183 : vector<16xi32> to vector<16xi32>
        %swap3A_185 = vector.shape_cast %and3A_181 : vector<16xi32> to vector<16xi32>
        tpu.vector_store %arg12[%swap3A_182], %swap3A_185 {strides = array<i32>} : memref<80xi32, #tpu.memory_space<vmem>>, vector<16xi32>,
        %dma_start3A_186 = arith.constant 0 : i32
        %dma_start3A_187 = arith.constant 0 : i32
        %dma_start3A_188 = tpu.memref_slice %arg2[%dma_start3A_186, %dma_start3A_187] : memref<80000x128xf32, #tpu.memory_space<hbm>> -> memref<80000x128xf32, #tpu.memory_space<hbm>>
        tpu.enqueue_indirect_dma source(%dma_start3A_188 : memref<80000x128xf32, #tpu.memory_space<hbm>>) target(%arg16 : memref<80x128xf32, #tpu.memory_space<vmem>>) offsets(%arg11 : memref<80xi32, #tpu.memory_space<vmem>>) semaphore(%arg20 : memref<!tpu.dma_semaphore, #tpu.memory_space<semaphore_mem>>)
        %add3A_189 = arith.constant 3 : i32
        %add3A_190 = arith.addi %add3A_60, %add3A_189 : i32
        %lt3A_191 = arith.constant 125 : i32
        %lt3A_192 = arith.cmpi slt, %add3A_190, %lt3A_191 : i32
        %convert_element_type3A_193 = arith.extui %lt3A_192 : i1 to i32
        %cond3A_194 = arith.constant 0 : i32
        %cond3A_195 = arith.cmpi ne, %convert_element_type3A_193, %cond3A_194 : i32
        scf.if %cond3A_195 {
          %add3A_196 = arith.constant 3 : i32
          %add3A_197 = arith.addi %add3A_60, %add3A_196 : i32
          %mul3A_198 = arith.constant 80 : i32
          %mul3A_199 = arith.muli %add3A_197, %mul3A_198 : i32
          %add3A_200 = arith.addi %mul3A_2, %mul3A_199 : i32
          %dma_start3A_201 = tpu.memref_slice %arg3[%add3A_200] : memref<320000xi32, #tpu.memory_space<hbm>> -> memref<80xi32, #tpu.memory_space<hbm>>
          %dma_start3A_202 = tpu.memref_slice %arg3[%add3A_200] : memref<320000xi32, #tpu.memory_space<hbm>> -> memref<80xi32, #tpu.memory_space<hbm>>
          tpu.enqueue_dma source(%dma_start3A_202 : memref<80xi32, #tpu.memory_space<hbm>>) target(%arg7 : memref<80xi32, #tpu.memory_space<vmem>>) target_semaphore(%arg26 : memref<!tpu.dma_semaphore, #tpu.memory_space<semaphore_mem>>)
        } else {
        }
      } else {
      }
      %sub3A_66 = arith.constant 2 : i32
      %sub3A_67 = arith.subi %add3A_60, %sub3A_66 : i32
      %ge3A_68 = arith.constant 0 : i32
      %ge3A_69 = arith.cmpi sge, %sub3A_67, %ge3A_68 : i32
      %lt3A_70 = arith.constant 125 : i32
      %lt3A_71 = arith.cmpi slt, %sub3A_67, %lt3A_70 : i32
      %and3A_72 = arith.andi %ge3A_69, %lt3A_71 : i1
      %convert_element_type3A_73 = arith.extui %and3A_72 : i1 to i32
      %cond3A_74 = arith.constant 0 : i32
      %cond3A_75 = arith.cmpi ne, %convert_element_type3A_73, %cond3A_74 : i32
      scf.if %cond3A_75 {
        %dma_wait3A_95 = arith.constant 0 : i32
        %dma_wait3A_96 = arith.constant 0 : i32
        %dma_wait3A_97 = tpu.memref_slice %arg2[%dma_wait3A_95, %dma_wait3A_96] : memref<80000x128xf32, #tpu.memory_space<hbm>> -> memref<80x128xf32, #tpu.memory_space<hbm>>
        %dma_wait3A_98 = arith.constant 0 : i32
        %dma_wait3A_99 = arith.constant 0 : i32
        %dma_wait3A_100 = tpu.memref_slice %arg2[%dma_wait3A_98, %dma_wait3A_99] : memref<80000x128xf32, #tpu.memory_space<hbm>> -> memref<80x128xf32, #tpu.memory_space<hbm>>
        tpu.wait_dma2 semaphore(%arg21 : memref<!tpu.dma_semaphore, #tpu.memory_space<semaphore_mem>>) src(%dma_wait3A_100 : memref<80x128xf32, #tpu.memory_space<hbm>>) dst(%arg17 : memref<80x128xf32, #tpu.memory_space<vmem>>)
        %dma_start3A_101 = arith.constant 0 : i32
        %dma_start3A_102 = arith.constant 0 : i32
        %dma_start3A_103 = tpu.memref_slice %arg18[%dma_start3A_101, %dma_start3A_102] : memref<10240x128xf32, #tpu.memory_space<vmem_shared>> -> memref<10240x128xf32, #tpu.memory_space<vmem_shared>>
        tpu.enqueue_indirect_dma source(%arg17 : memref<80x128xf32, #tpu.memory_space<vmem>>) target(%dma_start3A_103 : memref<10240x128xf32, #tpu.memory_space<vmem_shared>>) offsets(%arg14 : memref<80xi32, #tpu.memory_space<vmem>>) semaphore(%arg24 : memref<!tpu.dma_semaphore, #tpu.memory_space<semaphore_mem>>) {add = true}
      } else {
      }
      %mul3A_76 = arith.constant 3 : i32
      %mul3A_77 = arith.muli %mul3A_76, %scan3A_43 : i32
      %add3A_78 = arith.constant 2 : i32
      %add3A_79 = arith.addi %mul3A_77, %add3A_78 : i32
      %lt3A_80 = arith.constant 125 : i32
      %lt3A_81 = arith.cmpi slt, %add3A_79, %lt3A_80 : i32
      %convert_element_type3A_82 = arith.extui %lt3A_81 : i1 to i32
      %cond3A_83 = arith.constant 0 : i32
      %cond3A_84 = arith.cmpi ne, %convert_element_type3A_82, %cond3A_83 : i32
      scf.if %cond3A_84 {
        %ge3A_95 = arith.constant 3 : i32
        %ge3A_96 = arith.cmpi sge, %add3A_79, %ge3A_95 : i32
        %convert_element_type3A_97 = arith.extui %ge3A_96 : i1 to i32
        %cond3A_98 = arith.constant 0 : i32
        %cond3A_99 = arith.cmpi ne, %convert_element_type3A_97, %cond3A_98 : i32
        scf.if %cond3A_99 {
          %dma_wait3A_196 = arith.constant 0 : i32
          %dma_wait3A_197 = arith.constant 0 : i32
          %dma_wait3A_198 = tpu.memref_slice %arg2[%dma_wait3A_196, %dma_wait3A_197] : memref<80000x128xf32, #tpu.memory_space<hbm>> -> memref<80x128xf32, #tpu.memory_space<hbm>>
          %dma_wait3A_199 = arith.constant 0 : i32
          %dma_wait3A_200 = arith.constant 0 : i32
          %dma_wait3A_201 = tpu.memref_slice %arg2[%dma_wait3A_199, %dma_wait3A_200] : memref<80000x128xf32, #tpu.memory_space<hbm>> -> memref<80x128xf32, #tpu.memory_space<hbm>>
          tpu.wait_dma2 semaphore(%arg24 : memref<!tpu.dma_semaphore, #tpu.memory_space<semaphore_mem>>) src(%dma_wait3A_201 : memref<80x128xf32, #tpu.memory_space<hbm>>) dst(%arg17 : memref<80x128xf32, #tpu.memory_space<vmem>>)
        } else {
        }
        %dma_wait3A_100 = arith.constant 0 : i32
        %dma_wait3A_101 = tpu.memref_slice %arg3[%dma_wait3A_100] : memref<320000xi32, #tpu.memory_space<hbm>> -> memref<80xi32, #tpu.memory_space<hbm>>
        %dma_wait3A_102 = arith.constant 0 : i32
        %dma_wait3A_103 = tpu.memref_slice %arg3[%dma_wait3A_102] : memref<320000xi32, #tpu.memory_space<hbm>> -> memref<80xi32, #tpu.memory_space<hbm>>
        tpu.wait_dma2 semaphore(%arg27 : memref<!tpu.dma_semaphore, #tpu.memory_space<semaphore_mem>>) src(%dma_wait3A_103 : memref<80xi32, #tpu.memory_space<hbm>>) dst(%arg8 : memref<80xi32, #tpu.memory_space<vmem>>)
        %get3A = arith.constant 0 : index
        %get3A_104 = tpu.vector_load %arg8[%get3A] {strides = array<i32>} : memref<80xi32, #tpu.memory_space<vmem>>, vector<16xi32>,
        %get3A_105 = vector.shape_cast %get3A_104 : vector<16xi32> to vector<16xi32>
        %shift_right_arithmetic3A = arith.constant 14 : i32
        %shift_right_arithmetic3A_106 = vector.broadcast %shift_right_arithmetic3A : i32 to vector<16xi32>
        %shift_right_arithmetic3A_107 = arith.shrsi %get3A_105, %shift_right_arithmetic3A_106 : vector<16xi32>
        %swap3A = arith.constant 0 : index
        %swap3A_108 = tpu.vector_load %arg13[%swap3A] {strides = array<i32>} : memref<80xi32, #tpu.memory_space<vmem>>, vector<16xi32>,
        %swap3A_109 = vector.shape_cast %swap3A_108 : vector<16xi32> to vector<16xi32>
        %swap3A_110 = vector.shape_cast %shift_right_arithmetic3A_107 : vector<16xi32> to vector<16xi32>
        tpu.vector_store %arg13[%swap3A], %swap3A_110 {strides = array<i32>} : memref<80xi32, #tpu.memory_space<vmem>>, vector<16xi32>,
        %and3A_111 = arith.constant 16383 : i32
        %and3A_112 = vector.broadcast %and3A_111 : i32 to vector<16xi32>
        %and3A_113 = arith.andi %get3A_105, %and3A_112 : vector<16xi32>
        %swap3A_114 = arith.constant 0 : index
        %swap3A_115 = tpu.vector_load %arg14[%swap3A_114] {strides = array<i32>} : memref<80xi32, #tpu.memory_space<vmem>>, vector<16xi32>,
        %swap3A_116 = vector.shape_cast %swap3A_115 : vector<16xi32> to vector<16xi32>
        %swap3A_117 = vector.shape_cast %and3A_113 : vector<16xi32> to vector<16xi32>
        tpu.vector_store %arg14[%swap3A_114], %swap3A_117 {strides = array<i32>} : memref<80xi32, #tpu.memory_space<vmem>>, vector<16xi32>,
        %get3A_118 = arith.constant 16 : index
        %get3A_119 = tpu.vector_load %arg8[%get3A_118] {strides = array<i32>} : memref<80xi32, #tpu.memory_space<vmem>>, vector<16xi32>,
        %get3A_120 = vector.shape_cast %get3A_119 : vector<16xi32> to vector<16xi32>
        %shift_right_arithmetic3A_121 = arith.constant 14 : i32
        %shift_right_arithmetic3A_122 = vector.broadcast %shift_right_arithmetic3A_121 : i32 to vector<16xi32>
        %shift_right_arithmetic3A_123 = arith.shrsi %get3A_120, %shift_right_arithmetic3A_122 : vector<16xi32>
        %swap3A_124 = arith.constant 16 : index
        %swap3A_125 = tpu.vector_load %arg13[%swap3A_124] {strides = array<i32>} : memref<80xi32, #tpu.memory_space<vmem>>, vector<16xi32>,
        %swap3A_126 = vector.shape_cast %swap3A_125 : vector<16xi32> to vector<16xi32>
        %swap3A_127 = vector.shape_cast %shift_right_arithmetic3A_123 : vector<16xi32> to vector<16xi32>
        tpu.vector_store %arg13[%swap3A_124], %swap3A_127 {strides = array<i32>} : memref<80xi32, #tpu.memory_space<vmem>>, vector<16xi32>,
        %and3A_128 = arith.constant 16383 : i32
        %and3A_129 = vector.broadcast %and3A_128 : i32 to vector<16xi32>
        %and3A_130 = arith.andi %get3A_120, %and3A_129 : vector<16xi32>
        %swap3A_131 = arith.constant 16 : index
        %swap3A_132 = tpu.vector_load %arg14[%swap3A_131] {strides = array<i32>} : memref<80xi32, #tpu.memory_space<vmem>>, vector<16xi32>,
        %swap3A_133 = vector.shape_cast %swap3A_132 : vector<16xi32> to vector<16xi32>
        %swap3A_134 = vector.shape_cast %and3A_130 : vector<16xi32> to vector<16xi32>
        tpu.vector_store %arg14[%swap3A_131], %swap3A_134 {strides = array<i32>} : memref<80xi32, #tpu.memory_space<vmem>>, vector<16xi32>,
        %get3A_135 = arith.constant 32 : index
        %get3A_136 = tpu.vector_load %arg8[%get3A_135] {strides = array<i32>} : memref<80xi32, #tpu.memory_space<vmem>>, vector<16xi32>,
        %get3A_137 = vector.shape_cast %get3A_136 : vector<16xi32> to vector<16xi32>
        %shift_right_arithmetic3A_138 = arith.constant 14 : i32
        %shift_right_arithmetic3A_139 = vector.broadcast %shift_right_arithmetic3A_138 : i32 to vector<16xi32>
        %shift_right_arithmetic3A_140 = arith.shrsi %get3A_137, %shift_right_arithmetic3A_139 : vector<16xi32>
        %swap3A_141 = arith.constant 32 : index
        %swap3A_142 = tpu.vector_load %arg13[%swap3A_141] {strides = array<i32>} : memref<80xi32, #tpu.memory_space<vmem>>, vector<16xi32>,
        %swap3A_143 = vector.shape_cast %swap3A_142 : vector<16xi32> to vector<16xi32>
        %swap3A_144 = vector.shape_cast %shift_right_arithmetic3A_140 : vector<16xi32> to vector<16xi32>
        tpu.vector_store %arg13[%swap3A_141], %swap3A_144 {strides = array<i32>} : memref<80xi32, #tpu.memory_space<vmem>>, vector<16xi32>,
        %and3A_145 = arith.constant 16383 : i32
        %and3A_146 = vector.broadcast %and3A_145 : i32 to vector<16xi32>
        %and3A_147 = arith.andi %get3A_137, %and3A_146 : vector<16xi32>
        %swap3A_148 = arith.constant 32 : index
        %swap3A_149 = tpu.vector_load %arg14[%swap3A_148] {strides = array<i32>} : memref<80xi32, #tpu.memory_space<vmem>>, vector<16xi32>,
        %swap3A_150 = vector.shape_cast %swap3A_149 : vector<16xi32> to vector<16xi32>
        %swap3A_151 = vector.shape_cast %and3A_147 : vector<16xi32> to vector<16xi32>
        tpu.vector_store %arg14[%swap3A_148], %swap3A_151 {strides = array<i32>} : memref<80xi32, #tpu.memory_space<vmem>>, vector<16xi32>,
        %get3A_152 = arith.constant 48 : index
        %get3A_153 = tpu.vector_load %arg8[%get3A_152] {strides = array<i32>} : memref<80xi32, #tpu.memory_space<vmem>>, vector<16xi32>,
        %get3A_154 = vector.shape_cast %get3A_153 : vector<16xi32> to vector<16xi32>
        %shift_right_arithmetic3A_155 = arith.constant 14 : i32
        %shift_right_arithmetic3A_156 = vector.broadcast %shift_right_arithmetic3A_155 : i32 to vector<16xi32>
        %shift_right_arithmetic3A_157 = arith.shrsi %get3A_154, %shift_right_arithmetic3A_156 : vector<16xi32>
        %swap3A_158 = arith.constant 48 : index
        %swap3A_159 = tpu.vector_load %arg13[%swap3A_158] {strides = array<i32>} : memref<80xi32, #tpu.memory_space<vmem>>, vector<16xi32>,
        %swap3A_160 = vector.shape_cast %swap3A_159 : vector<16xi32> to vector<16xi32>
        %swap3A_161 = vector.shape_cast %shift_right_arithmetic3A_157 : vector<16xi32> to vector<16xi32>
        tpu.vector_store %arg13[%swap3A_158], %swap3A_161 {strides = array<i32>} : memref<80xi32, #tpu.memory_space<vmem>>, vector<16xi32>,
        %and3A_162 = arith.constant 16383 : i32
        %and3A_163 = vector.broadcast %and3A_162 : i32 to vector<16xi32>
        %and3A_164 = arith.andi %get3A_154, %and3A_163 : vector<16xi32>
        %swap3A_165 = arith.constant 48 : index
        %swap3A_166 = tpu.vector_load %arg14[%swap3A_165] {strides = array<i32>} : memref<80xi32, #tpu.memory_space<vmem>>, vector<16xi32>,
        %swap3A_167 = vector.shape_cast %swap3A_166 : vector<16xi32> to vector<16xi32>
        %swap3A_168 = vector.shape_cast %and3A_164 : vector<16xi32> to vector<16xi32>
        tpu.vector_store %arg14[%swap3A_165], %swap3A_168 {strides = array<i32>} : memref<80xi32, #tpu.memory_space<vmem>>, vector<16xi32>,
        %get3A_169 = arith.constant 64 : index
        %get3A_170 = tpu.vector_load %arg8[%get3A_169] {strides = array<i32>} : memref<80xi32, #tpu.memory_space<vmem>>, vector<16xi32>,
        %get3A_171 = vector.shape_cast %get3A_170 : vector<16xi32> to vector<16xi32>
        %shift_right_arithmetic3A_172 = arith.constant 14 : i32
        %shift_right_arithmetic3A_173 = vector.broadcast %shift_right_arithmetic3A_172 : i32 to vector<16xi32>
        %shift_right_arithmetic3A_174 = arith.shrsi %get3A_171, %shift_right_arithmetic3A_173 : vector<16xi32>
        %swap3A_175 = arith.constant 64 : index
        %swap3A_176 = tpu.vector_load %arg13[%swap3A_175] {strides = array<i32>} : memref<80xi32, #tpu.memory_space<vmem>>, vector<16xi32>,
        %swap3A_177 = vector.shape_cast %swap3A_176 : vector<16xi32> to vector<16xi32>
        %swap3A_178 = vector.shape_cast %shift_right_arithmetic3A_174 : vector<16xi32> to vector<16xi32>
        tpu.vector_store %arg13[%swap3A_175], %swap3A_178 {strides = array<i32>} : memref<80xi32, #tpu.memory_space<vmem>>, vector<16xi32>,
        %and3A_179 = arith.constant 16383 : i32
        %and3A_180 = vector.broadcast %and3A_179 : i32 to vector<16xi32>
        %and3A_181 = arith.andi %get3A_171, %and3A_180 : vector<16xi32>
        %swap3A_182 = arith.constant 64 : index
        %swap3A_183 = tpu.vector_load %arg14[%swap3A_182] {strides = array<i32>} : memref<80xi32, #tpu.memory_space<vmem>>, vector<16xi32>,
        %swap3A_184 = vector.shape_cast %swap3A_183 : vector<16xi32> to vector<16xi32>
        %swap3A_185 = vector.shape_cast %and3A_181 : vector<16xi32> to vector<16xi32>
        tpu.vector_store %arg14[%swap3A_182], %swap3A_185 {strides = array<i32>} : memref<80xi32, #tpu.memory_space<vmem>>, vector<16xi32>,
        %dma_start3A_186 = arith.constant 0 : i32
        %dma_start3A_187 = arith.constant 0 : i32
        %dma_start3A_188 = tpu.memref_slice %arg2[%dma_start3A_186, %dma_start3A_187] : memref<80000x128xf32, #tpu.memory_space<hbm>> -> memref<80000x128xf32, #tpu.memory_space<hbm>>
        tpu.enqueue_indirect_dma source(%dma_start3A_188 : memref<80000x128xf32, #tpu.memory_space<hbm>>) target(%arg17 : memref<80x128xf32, #tpu.memory_space<vmem>>) offsets(%arg13 : memref<80xi32, #tpu.memory_space<vmem>>) semaphore(%arg21 : memref<!tpu.dma_semaphore, #tpu.memory_space<semaphore_mem>>)
        %add3A_189 = arith.constant 3 : i32
        %add3A_190 = arith.addi %add3A_79, %add3A_189 : i32
        %lt3A_191 = arith.constant 125 : i32
        %lt3A_192 = arith.cmpi slt, %add3A_190, %lt3A_191 : i32
        %convert_element_type3A_193 = arith.extui %lt3A_192 : i1 to i32
        %cond3A_194 = arith.constant 0 : i32
        %cond3A_195 = arith.cmpi ne, %convert_element_type3A_193, %cond3A_194 : i32
        scf.if %cond3A_195 {
          %add3A_196 = arith.constant 3 : i32
          %add3A_197 = arith.addi %add3A_79, %add3A_196 : i32
          %mul3A_198 = arith.constant 80 : i32
          %mul3A_199 = arith.muli %add3A_197, %mul3A_198 : i32
          %add3A_200 = arith.addi %mul3A_2, %mul3A_199 : i32
          %dma_start3A_201 = tpu.memref_slice %arg3[%add3A_200] : memref<320000xi32, #tpu.memory_space<hbm>> -> memref<80xi32, #tpu.memory_space<hbm>>
          %dma_start3A_202 = tpu.memref_slice %arg3[%add3A_200] : memref<320000xi32, #tpu.memory_space<hbm>> -> memref<80xi32, #tpu.memory_space<hbm>>
          tpu.enqueue_dma source(%dma_start3A_202 : memref<80xi32, #tpu.memory_space<hbm>>) target(%arg8 : memref<80xi32, #tpu.memory_space<vmem>>) target_semaphore(%arg27 : memref<!tpu.dma_semaphore, #tpu.memory_space<semaphore_mem>>)
        } else {
        }
      } else {
      }
      %sub3A_85 = arith.constant 2 : i32
      %sub3A_86 = arith.subi %add3A_79, %sub3A_85 : i32
      %ge3A_87 = arith.constant 0 : i32
      %ge3A_88 = arith.cmpi sge, %sub3A_86, %ge3A_87 : i32
      %lt3A_89 = arith.constant 125 : i32
      %lt3A_90 = arith.cmpi slt, %sub3A_86, %lt3A_89 : i32
      %and3A_91 = arith.andi %ge3A_88, %lt3A_90 : i1
      %convert_element_type3A_92 = arith.extui %and3A_91 : i1 to i32
      %cond3A_93 = arith.constant 0 : i32
      %cond3A_94 = arith.cmpi ne, %convert_element_type3A_92, %cond3A_93 : i32
      scf.if %cond3A_94 {
        %dma_wait3A_95 = arith.constant 0 : i32
        %dma_wait3A_96 = arith.constant 0 : i32
        %dma_wait3A_97 = tpu.memref_slice %arg2[%dma_wait3A_95, %dma_wait3A_96] : memref<80000x128xf32, #tpu.memory_space<hbm>> -> memref<80x128xf32, #tpu.memory_space<hbm>>
        %dma_wait3A_98 = arith.constant 0 : i32
        %dma_wait3A_99 = arith.constant 0 : i32
        %dma_wait3A_100 = tpu.memref_slice %arg2[%dma_wait3A_98, %dma_wait3A_99] : memref<80000x128xf32, #tpu.memory_space<hbm>> -> memref<80x128xf32, #tpu.memory_space<hbm>>
        tpu.wait_dma2 semaphore(%arg19 : memref<!tpu.dma_semaphore, #tpu.memory_space<semaphore_mem>>) src(%dma_wait3A_100 : memref<80x128xf32, #tpu.memory_space<hbm>>) dst(%arg15 : memref<80x128xf32, #tpu.memory_space<vmem>>)
        %dma_start3A_101 = arith.constant 0 : i32
        %dma_start3A_102 = arith.constant 0 : i32
        %dma_start3A_103 = tpu.memref_slice %arg18[%dma_start3A_101, %dma_start3A_102] : memref<10240x128xf32, #tpu.memory_space<vmem_shared>> -> memref<10240x128xf32, #tpu.memory_space<vmem_shared>>
        tpu.enqueue_indirect_dma source(%arg15 : memref<80x128xf32, #tpu.memory_space<vmem>>) target(%dma_start3A_103 : memref<10240x128xf32, #tpu.memory_space<vmem_shared>>) offsets(%arg10 : memref<80xi32, #tpu.memory_space<vmem>>) semaphore(%arg22 : memref<!tpu.dma_semaphore, #tpu.memory_space<semaphore_mem>>) {add = true}
      } else {
      }
    }
    %scan3A_20 = arith.constant 43 : i32
    %dma_wait3A = arith.constant 0 : i32
    %dma_wait3A_21 = arith.constant 0 : i32
    %dma_wait3A_22 = tpu.memref_slice %arg2[%dma_wait3A, %dma_wait3A_21] : memref<80000x128xf32, #tpu.memory_space<hbm>> -> memref<80x128xf32, #tpu.memory_space<hbm>>
    %dma_wait3A_23 = arith.constant 0 : i32
    %dma_wait3A_24 = arith.constant 0 : i32
    %dma_wait3A_25 = tpu.memref_slice %arg2[%dma_wait3A_23, %dma_wait3A_24] : memref<80000x128xf32, #tpu.memory_space<hbm>> -> memref<80x128xf32, #tpu.memory_space<hbm>>
    tpu.wait_dma2 semaphore(%arg22 : memref<!tpu.dma_semaphore, #tpu.memory_space<semaphore_mem>>) src(%dma_wait3A_25 : memref<80x128xf32, #tpu.memory_space<hbm>>) dst(%arg15 : memref<80x128xf32, #tpu.memory_space<vmem>>)
    %dma_wait3A_26 = arith.constant 0 : i32
    %dma_wait3A_27 = arith.constant 0 : i32
    %dma_wait3A_28 = tpu.memref_slice %arg2[%dma_wait3A_26, %dma_wait3A_27] : memref<80000x128xf32, #tpu.memory_space<hbm>> -> memref<80x128xf32, #tpu.memory_space<hbm>>
    %dma_wait3A_29 = arith.constant 0 : i32
    %dma_wait3A_30 = arith.constant 0 : i32
    %dma_wait3A_31 = tpu.memref_slice %arg2[%dma_wait3A_29, %dma_wait3A_30] : memref<80000x128xf32, #tpu.memory_space<hbm>> -> memref<80x128xf32, #tpu.memory_space<hbm>>
    tpu.wait_dma2 semaphore(%arg23 : memref<!tpu.dma_semaphore, #tpu.memory_space<semaphore_mem>>) src(%dma_wait3A_31 : memref<80x128xf32, #tpu.memory_space<hbm>>) dst(%arg16 : memref<80x128xf32, #tpu.memory_space<vmem>>)
    %dma_wait3A_32 = arith.constant 0 : i32
    %dma_wait3A_33 = arith.constant 0 : i32
    %dma_wait3A_34 = tpu.memref_slice %arg2[%dma_wait3A_32, %dma_wait3A_33] : memref<80000x128xf32, #tpu.memory_space<hbm>> -> memref<80x128xf32, #tpu.memory_space<hbm>>
    %dma_wait3A_35 = arith.constant 0 : i32
    %dma_wait3A_36 = arith.constant 0 : i32
    %dma_wait3A_37 = tpu.memref_slice %arg2[%dma_wait3A_35, %dma_wait3A_36] : memref<80000x128xf32, #tpu.memory_space<hbm>> -> memref<80x128xf32, #tpu.memory_space<hbm>>
    tpu.wait_dma2 semaphore(%arg24 : memref<!tpu.dma_semaphore, #tpu.memory_space<semaphore_mem>>) src(%dma_wait3A_37 : memref<80x128xf32, #tpu.memory_space<hbm>>) dst(%arg17 : memref<80x128xf32, #tpu.memory_space<vmem>>)
    %barrier3A_38 = arith.constant 0 : index
    tpu.barrier barrier_id(%barrier3A_38)
    %mul3A_39 = arith.constant 640 : i32
    %mul3A_40 = arith.muli %arg1, %mul3A_39 : i32
    %mul3A_41 = arith.constant 640 : i32
    %mul3A_42 = arith.muli %arg1, %mul3A_41 : i32
    "tpu.region"() ({
      %run_scoped3A = tpu.sem_alloc : memref<!tpu.dma_semaphore, #tpu.memory_space<semaphore_mem>>
      %dma_start3A_43 = arith.constant 0 : i32
      %dma_start3A_44 = tpu.memref_slice %arg5[%arg0, %mul3A_42, %dma_start3A_43] : memref<2x10240x128xf32, #tpu.memory_space<hbm>> -> memref<1x640x128xf32, #tpu.memory_space<hbm>>
      %dma_start3A_45 = tpu.memref_squeeze %dma_start3A_44 : memref<1x640x128xf32, #tpu.memory_space<hbm>> -> memref<640x128xf32, #tpu.memory_space<hbm>>
      %dma_start3A_46 = arith.constant 0 : i32
      %dma_start3A_47 = tpu.memref_slice %arg18[%mul3A_40, %dma_start3A_46] : memref<10240x128xf32, #tpu.memory_space<vmem_shared>> -> memref<640x128xf32, #tpu.memory_space<vmem_shared>>
      tpu.enqueue_dma source(%dma_start3A_47 : memref<640x128xf32, #tpu.memory_space<vmem_shared>>) target(%dma_start3A_45 : memref<640x128xf32, #tpu.memory_space<hbm>>) target_semaphore(%run_scoped3A : memref<!tpu.dma_semaphore, #tpu.memory_space<semaphore_mem>>)
      %dma_wait3A_48 = arith.constant 0 : i32
      %dma_wait3A_49 = tpu.memref_slice %arg5[%arg0, %mul3A_42, %dma_wait3A_48] : memref<2x10240x128xf32, #tpu.memory_space<hbm>> -> memref<1x640x128xf32, #tpu.memory_space<hbm>>
      %dma_wait3A_50 = tpu.memref_squeeze %dma_wait3A_49 : memref<1x640x128xf32, #tpu.memory_space<hbm>> -> memref<640x128xf32, #tpu.memory_space<hbm>>
      %dma_wait3A_51 = arith.constant 0 : i32
      %dma_wait3A_52 = tpu.memref_slice %arg18[%mul3A_40, %dma_wait3A_51] : memref<10240x128xf32, #tpu.memory_space<vmem_shared>> -> memref<640x128xf32, #tpu.memory_space<vmem_shared>>
      tpu.wait_dma2 semaphore(%run_scoped3A : memref<!tpu.dma_semaphore, #tpu.memory_space<semaphore_mem>>) src(%dma_wait3A_52 : memref<640x128xf32, #tpu.memory_space<vmem_shared>>) dst(%dma_wait3A_50 : memref<640x128xf32, #tpu.memory_space<hbm>>)
      tpu.yield
    }) : () -> ()
    return
  }
}

module attributes {stable_mosaic.version = 14 : i64} {
  func.func @_add_body(%arg0: i32, %arg1: memref<2x2000x128xf32, #tpu.memory_space<vmem>>, %arg2: memref<2000x128xf32, #tpu.memory_space<vmem>>) attributes {dimension_semantics = [#tpu.dimension_semantics<arbitrary>], iteration_bounds = array<i64: 5>, scalar_prefetch = 0 : i64, scratch_operands = 0 : i64, tpu.core_type = #tpu.core_type<tc>, window_params = [{transform_indices = @transform_0, window_bounds = array<i64: 2, 2000, 128>}, {transform_indices = @transform_1, window_bounds = array<i64: 2000, 128>}]} {
    %get3A = arith.constant 0 : index
    %get3A_0 = arith.constant 0 : index
    %get3A_1 = arith.constant 0 : index
    %get3A_2 = vector.load %arg1[%get3A, %get3A_0, %get3A_1] : memref<2x2000x128xf32, #tpu.memory_space<vmem>>, vector<1x2000x128xf32>
    %get3A_3 = vector.shape_cast %get3A_2 : vector<1x2000x128xf32> to vector<2000x128xf32>
    %get3A_4 = arith.constant 1 : index
    %get3A_5 = arith.constant 0 : index
    %get3A_6 = arith.constant 0 : index
    %get3A_7 = vector.load %arg1[%get3A_4, %get3A_5, %get3A_6] : memref<2x2000x128xf32, #tpu.memory_space<vmem>>, vector<1x2000x128xf32>
    %get3A_8 = vector.shape_cast %get3A_7 : vector<1x2000x128xf32> to vector<2000x128xf32>
    %add3A = arith.addf %get3A_3, %get3A_8 : vector<2000x128xf32>
    %swap3A = arith.constant 0 : index
    %swap3A_9 = arith.constant 0 : index
    %swap3A_10 = vector.load %arg2[%swap3A, %swap3A_9] : memref<2000x128xf32, #tpu.memory_space<vmem>>, vector<2000x128xf32>
    tpu.vector_store %arg2[%swap3A, %swap3A_9], %add3A {strides = array<i32>} : memref<2000x128xf32, #tpu.memory_space<vmem>>, vector<2000x128xf32>,
    return
  }
  func.func @transform_0(%arg0: i32) -> (i32, i32, i32) {
    %c0_i32 = arith.constant 0 : i32
    %c0_i32_0 = arith.constant 0 : i32
    %c0_i32_1 = arith.constant 0 : i32
    return %c0_i32, %arg0, %c0_i32_0 : i32, i32, i32
  }
  func.func @transform_1(%arg0: i32) -> (i32, i32) {
    %c0_i32 = arith.constant 0 : i32
    %c0_i32_0 = arith.constant 0 : i32
    return %arg0, %c0_i32 : i32, i32
  }
}

module attributes {stable_mosaic.version = 14 : i64} {
  func.func @_h_body(%arg0: i32, %arg1: memref<10000x128xf32, #tpu.memory_space<vmem>>, %arg2: memref<1x128x128xf32, #tpu.memory_space<vmem>>, %arg3: memref<1x1x128xf32, #tpu.memory_space<vmem>>, %arg4: memref<2x320000xi32, #tpu.memory_space<vmem>>, %arg5: memref<320000xi32, #tpu.memory_space<vmem>>, %arg6: memref<1x10000x128xf32, #tpu.memory_space<vmem>>, %arg7: memref<320000xi32, #tpu.memory_space<vmem>>, %arg8: memref<640x128xf32, #tpu.memory_space<vmem>>) attributes {dimension_semantics = [#tpu.dimension_semantics<arbitrary>], iteration_bounds = array<i64: 8>, scalar_prefetch = 0 : i64, scratch_operands = 0 : i64, tpu.core_type = #tpu.core_type<tc>, window_params = [{pipeline_mode = #tpu.pipeline_mode<synchronous>, transform_indices = @transform_0, window_bounds = array<i64: 10000, 128>}, {transform_indices = @transform_1, window_bounds = array<i64: 1, 128, 128>}, {transform_indices = @transform_2, window_bounds = array<i64: 1, 1, 128>}, {pipeline_mode = #tpu.pipeline_mode<synchronous>, transform_indices = @transform_3, window_bounds = array<i64: 2, 320000>}, {pipeline_mode = #tpu.pipeline_mode<synchronous>, transform_indices = @transform_4, window_bounds = array<i64: 320000>}, {transform_indices = @transform_5, window_bounds = array<i64: 1, 10000, 128>}, {pipeline_mode = #tpu.pipeline_mode<synchronous>, transform_indices = @transform_6, window_bounds = array<i64: 320000>}, {pipeline_mode = #tpu.pipeline_mode<synchronous>, transform_indices = @transform_7, window_bounds = array<i64: 640, 128>}]} {
    %get3A = arith.constant 0 : index
    %get3A_0 = arith.constant 0 : index
    %get3A_1 = vector.load %arg1[%get3A, %get3A_0] : memref<10000x128xf32, #tpu.memory_space<vmem>>, vector<10000x128xf32>
    %get3A_2 = arith.constant 0 : index
    %get3A_3 = arith.constant 0 : index
    %get3A_4 = arith.constant 0 : index
    %get3A_5 = vector.load %arg2[%get3A_2, %get3A_3, %get3A_4] : memref<1x128x128xf32, #tpu.memory_space<vmem>>, vector<1x128x128xf32>
    %get3A_6 = vector.shape_cast %get3A_5 : vector<1x128x128xf32> to vector<128x128xf32>
    %dot_general3A = arith.constant dense<0.000000e+00> : vector<10000x128xf32>
    %dot_general3A_7 = tpu.matmul %get3A_1, %get3A_6, %dot_general3A {dimension_numbers = #tpu.dot_dimension_numbers<[1], [0], [0], [1], [0, 0, 1, 1], [], []>, transpose_lhs_hint = false} : vector<10000x128xf32>, vector<128x128xf32>, vector<10000x128xf32> -> vector<10000x128xf32>
    %get3A_8 = arith.constant 0 : index
    %get3A_9 = arith.constant 0 : index
    %get3A_10 = arith.constant 0 : index
    %get3A_11 = vector.load %arg3[%get3A_8, %get3A_9, %get3A_10] : memref<1x1x128xf32, #tpu.memory_space<vmem>>, vector<1x1x128xf32>
    %get3A_12 = vector.shape_cast %get3A_11 : vector<1x1x128xf32> to vector<1x128xf32>
    %add3A = vector.broadcast %get3A_12 : vector<1x128xf32> to vector<10000x128xf32>
    %add3A_13 = arith.addf %dot_general3A_7, %add3A : vector<10000x128xf32>
    %swap3A = arith.constant 0 : index
    %swap3A_14 = arith.constant 0 : index
    %swap3A_15 = arith.constant 0 : index
    %swap3A_16 = vector.load %arg6[%swap3A, %swap3A_14, %swap3A_15] : memref<1x10000x128xf32, #tpu.memory_space<vmem>>, vector<1x10000x128xf32>
    %swap3A_17 = vector.shape_cast %swap3A_16 : vector<1x10000x128xf32> to vector<10000x128xf32>
    %swap3A_18 = vector.shape_cast %add3A_13 : vector<10000x128xf32> to vector<1x10000x128xf32>
    tpu.vector_store %arg6[%swap3A, %swap3A_14, %swap3A_15], %swap3A_18 {strides = array<i32>} : memref<1x10000x128xf32, #tpu.memory_space<vmem>>, vector<1x10000x128xf32>,
    %eq3A = arith.constant 0 : i32
    %eq3A_19 = arith.cmpi eq, %arg0, %eq3A : i32
    %convert_element_type3A = arith.extui %eq3A_19 : i1 to i32
    %cond3A = arith.constant 0 : i32
    %cond3A_20 = arith.cmpi ne, %convert_element_type3A, %cond3A : i32
    scf.if %cond3A_20 {
      %get3A_21 = arith.constant 0 : index
      %get3A_22 = vector.load %arg5[%get3A_21] : memref<320000xi32, #tpu.memory_space<vmem>>, vector<320000xi32>
      %mul3A = arith.constant 10000 : i32
      %mul3A_23 = vector.broadcast %mul3A : i32 to vector<320000xi32>
      %mul3A_24 = arith.muli %get3A_22, %mul3A_23 : vector<320000xi32>
      %get3A_25 = arith.constant 0 : index
      %get3A_26 = arith.constant 0 : index
      %get3A_27 = vector.load %arg4[%get3A_25, %get3A_26] : memref<2x320000xi32, #tpu.memory_space<vmem>>, vector<1x320000xi32>
      %get3A_28 = vector.shape_cast %get3A_27 : vector<1x320000xi32> to vector<320000xi32>
      %add3A_29 = arith.addi %mul3A_24, %get3A_28 : vector<320000xi32>
      %shift_left3A = arith.constant 14 : i32
      %shift_left3A_30 = vector.broadcast %shift_left3A : i32 to vector<320000xi32>
      %shift_left3A_31 = arith.shli %add3A_29, %shift_left3A_30 : vector<320000xi32>
      %get3A_32 = arith.constant 1 : index
      %get3A_33 = arith.constant 0 : index
      %get3A_34 = vector.load %arg4[%get3A_32, %get3A_33] : memref<2x320000xi32, #tpu.memory_space<vmem>>, vector<1x320000xi32>
      %get3A_35 = vector.shape_cast %get3A_34 : vector<1x320000xi32> to vector<320000xi32>
      %or3A = arith.ori %shift_left3A_31, %get3A_35 : vector<320000xi32>
      %swap3A_36 = arith.constant 0 : index
      %swap3A_37 = vector.load %arg7[%swap3A_36] : memref<320000xi32, #tpu.memory_space<vmem>>, vector<320000xi32>
      tpu.vector_store %arg7[%swap3A_36], %or3A {strides = array<i32>} : memref<320000xi32, #tpu.memory_space<vmem>>, vector<320000xi32>,
      %broadcast_in_dim3A = arith.constant 0.000000e+00 : f32
      %broadcast_in_dim3A_38 = vector.broadcast %broadcast_in_dim3A : f32 to vector<640x128xf32>
      %swap3A_39 = arith.constant 0 : index
      %swap3A_40 = arith.constant 0 : index
      %swap3A_41 = vector.load %arg8[%swap3A_39, %swap3A_40] : memref<640x128xf32, #tpu.memory_space<vmem>>, vector<640x128xf32>
      tpu.vector_store %arg8[%swap3A_39, %swap3A_40], %broadcast_in_dim3A_38 {strides = array<i32>} : memref<640x128xf32, #tpu.memory_space<vmem>>, vector<640x128xf32>,
    } else {
    }
    return
  }
  func.func @transform_0(%arg0: i32) -> (i32, i32) {
    %c0_i32 = arith.constant 0 : i32
    %c0_i32_0 = arith.constant 0 : i32
    %c0_i32_1 = arith.constant 0 : i32
    return %c0_i32, %c0_i32_0 : i32, i32
  }
  func.func @transform_1(%arg0: i32) -> (i32, i32, i32) {
    %c0_i32 = arith.constant 0 : i32
    %c0_i32_0 = arith.constant 0 : i32
    %c0_i32_1 = arith.constant 0 : i32
    return %arg0, %c0_i32, %c0_i32_0 : i32, i32, i32
  }
  func.func @transform_2(%arg0: i32) -> (i32, i32, i32) {
    %c0_i32 = arith.constant 0 : i32
    %c0_i32_0 = arith.constant 0 : i32
    %c0_i32_1 = arith.constant 0 : i32
    return %arg0, %c0_i32, %c0_i32_0 : i32, i32, i32
  }
  func.func @transform_3(%arg0: i32) -> (i32, i32) {
    %c0_i32 = arith.constant 0 : i32
    %c0_i32_0 = arith.constant 0 : i32
    %c0_i32_1 = arith.constant 0 : i32
    return %c0_i32, %c0_i32_0 : i32, i32
  }
  func.func @transform_4(%arg0: i32) -> i32 {
    %c0_i32 = arith.constant 0 : i32
    %c0_i32_0 = arith.constant 0 : i32
    return %c0_i32 : i32
  }
  func.func @transform_5(%arg0: i32) -> (i32, i32, i32) {
    %c0_i32 = arith.constant 0 : i32
    %c0_i32_0 = arith.constant 0 : i32
    %c0_i32_1 = arith.constant 0 : i32
    return %arg0, %c0_i32, %c0_i32_0 : i32, i32, i32
  }
  func.func @transform_6(%arg0: i32) -> i32 {
    %c0_i32 = arith.constant 0 : i32
    %c0_i32_0 = arith.constant 0 : i32
    return %c0_i32 : i32
  }
  func.func @transform_7(%arg0: i32) -> (i32, i32) {
    %c0_i32 = arith.constant 0 : i32
    %c0_i32_0 = arith.constant 0 : i32
    %c0_i32_1 = arith.constant 0 : i32
    return %c0_i32, %c0_i32_0 : i32, i32
  }
}

</mosaic_0001>

<sc_bundles>
// kernel: kernel.5.cloned.1.call-start
scs
__scs_entry_jumppad:
0x0: {  	(pc) =	sbr.rel $0x88, $3  }
0x1: {  	(tag) =	ssettag $0x0;
	lr =	simm.s32 $0x1  }
0x2: {  	[smem:$0x3F9C] =	sst lr;
	_ =	strace $0xD0000000  }
0x3: {  	_ = 	snop  }
0x4: {  	_ = 	snop  }
0x5: {  	_ = 	snop  }
0x6: {  	_ = 	snop  }
0x7: {  	_ = 	snop  }
__scs_overlays_trampoline_lowered:
0x8: {  	[smem:$0x3FAB] =	sst s0  }
0x9: {  	[smem:$0x3FAC] =	sst s1  }
0xa: {  	[smem:$0x3FAD] =	sst s2  }
0xb: {  	[smem:$0x3FAE] =	sst s3  }
0xc: {  	[smem:$0x3FAF] =	sst s4  }
0xd: {  	[smem:$0x3FB0] =	sst s5  }
0xe: {  	[smem:$0x3FB1] =	sst s6  }
0xf: {  	[smem:$0x3FB2] =	sst s7  }
0x10: {  	[smem:$0x3FB3] =	sst s8  }
0x11: {  	[smem:$0x3FB4] =	sst s9;
	s0 =	simm.s32 @!p0 $0x0  }
0x12: {  	s1 =	sld [smem:$0x3F9A];
	s0 =	simm.s32 @p0 $0x1  }
0x13: {  	[smem:$0x3FB5] =	sst s0;
	s0 =	simm.s32 @!p1 $0x0  }
0x14: {  	s2 =	sld [smem:$0x3F99];
	s0 =	simm.s32 @p1 $0x1  }
0x15: {  	[smem:$0x3FB6] =	sst s0;
	s0 =	simm.s32 @!p2 $0x0  }
0x16: {  	s3 =	sld [smem:$0x3FDB];
	s0 =	simm.s32 @p2 $0x1  }
0x17: {  	s4 =	simm.s32 $0x1BF5;
	[smem:$0x3FB8] =	sst s0  }
0x18: {  	s0 =	sld [smem:$0x3F9B];
	_ =	swait.ge [sflag:s4], $0x0  }
0x19: {  	s7 =	sld [smem:$0x3F9C]  }
0x1a: {  	s8 =	sadd.s32 $0xFFFFE003, lr  }
0x1b: {  	s9 =	sadd.s32 $0xFFFFFEF7, lr;
	s5 =	simm.s32 $0xFFFFFFFF;
	p2 =	slt.u32 s8, $0xFFFFF086  }
0x1c: {  	p1 =	slt.u32 s9, $0xF7A;
	s5 =	simm.s32 @!p2 $0x0  }
0x1d: {  	s5 =	simm.s32 @p1 $0x1;
	p0 =	seq.s32 s7, s2  }
0x1e: {  	s7 =	smul.u32 @!p0 $0xF7A, s2;
	p2 =	seq.s32 @!p0 s5, $0x0  }
0x1f: {  	s9 =	smul.u32 $0xF7A, s1;
	s8 =	simm.s32 @!p0 $0x1BF5;
	p2 =	por !p2, p0  }
0x20: {  	[sflag:s8] =	ssyncset.s32 @!p0 $0xFFFFF086;
	s6 =	sadd.s32 @!p0 s3, s7;
	s7 =	simm.s32 @!p0 $0x108  }
0x21: {  	s3 =	sadd.s32 s3, s9;
	s6 =	sadd.s32 @!p0 $0x88, s6;
	s7 =	simm.s32 @p2 $0x1082  }
0x22: {  	[simem:s7], [sflag:s8] =	dma.local @!p0 [hbm:s6], $0xF7A  }
0x23: {  	s9 =	sor.u32 $0xD0000000, s2;
	s6 =	simm.s32 $0x108;
	_ =	swait.ge @!p0 [sflag:s8], $0x0  }
0x24: {  	s3 =	sadd.s32 $0x88, s3;
	s6 =	simm.s32 @!p1 $0x1082;
	[sflag:s4] =	ssyncset.s32 $0xFFFFF086  }
0x25: {  	[simem:s6], [sflag:s4] =	dma.local [hbm:s3], $0xF7A  }
0x26: {  	[smem:$0x3F9C] =	sst s1;
	(tag) =	ssettag s2;
	_ =	strace s9  }
0x27: {  	s1 =	sld [smem:$0x3FAC]  }
0x28: {  	s2 =	sld [smem:$0x3FAD]  }
0x29: {  	s4 =	sld [smem:$0x3FAF]  }
0x2a: {  	p0 =	seq.s32 s5, $0x0;
	s5 =	sld [smem:$0x3FB0]  }
0x2b: {  	s6 =	sld [smem:$0x3FB1]  }
0x2c: {  	s7 =	sld [smem:$0x3FB2]  }
0x2d: {  	s3 =	simm.s32 $0x108;
	s8 =	sld [smem:$0x3FB3]  }
0x2e: {  	s3 =	simm.s32 @!p0 $0x1082;
	s9 =	sld [smem:$0x3FB4]  }
0x2f: {  	lr =	sadd.s32 s0, s3;
	s0 =	sld [smem:$0x3FAB]  }
0x30: {  	s3 =	sld [smem:$0x3FAE]  }
0x31: {  	[smem:$0x3FB7] =	sst s10  }
0x32: {  	s10 =	sld [smem:$0x3FB5];
	_ =	sdelay $0x3  }
0x33: {  	p0 =	seq.s32 s10, $0x1;
	s10 =	sld [smem:$0x3FB7];
	_ =	sdelay $0x3  }
0x34: {  	[smem:$0x3FB7] =	sst s10  }
0x35: {  	s10 =	sld [smem:$0x3FB6];
	_ =	sdelay $0x3  }
0x36: {  	p1 =	seq.s32 s10, $0x1;
	s10 =	sld [smem:$0x3FB7];
	_ =	sdelay $0x3  }
0x37: {  	[smem:$0x3FB7] =	sst s10  }
0x38: {  	s10 =	sld [smem:$0x3FB8]  }
0x39: {  	_ = 	snop;
	(pc) =	sbr.ind lr, $3  }
0x3a: {  	_ = 	snop  }
0x3b: {  	_ = 	snop  }
0x3c: {  	p2 =	seq.s32 s10, $0x1;
	s10 =	sld [smem:$0x3FB7]  }
0x3d: {  	_ =	shalt  }
0x3e: {  	_ =	shalt  }
0x3f: {  	_ =	shalt  }
0x40: {  	_ =	shalt  }
0x41: {  	_ =	shalt  }
0x42: {  	_ =	shalt  }
0x43: {  	_ =	shalt  }
0x44: {  	_ =	shalt  }
0x45: {  	_ =	shalt  }
0x46: {  	_ =	shalt  }
0x47: {  	_ =	shalt  }
0x48: {  	_ =	shalt  }
0x49: {  	_ =	shalt  }
0x4a: {  	_ =	shalt  }
0x4b: {  	_ =	shalt  }
0x4c: {  	_ =	shalt  }
0x4d: {  	_ =	shalt  }
0x4e: {  	_ =	shalt  }
0x4f: {  	_ =	shalt  }
0x50: {  	_ =	shalt  }
0x51: {  	_ =	shalt  }
0x52: {  	_ =	shalt  }
0x53: {  	_ =	shalt  }
0x54: {  	_ =	shalt  }
0x55: {  	_ =	shalt  }
0x56: {  	_ =	shalt  }
0x57: {  	_ =	shalt  }
0x58: {  	_ =	shalt  }
0x59: {  	_ =	shalt  }
0x5a: {  	_ =	shalt  }
0x5b: {  	_ =	shalt  }
0x5c: {  	_ =	shalt  }
0x5d: {  	_ =	shalt  }
0x5e: {  	_ =	shalt  }
0x5f: {  	_ =	shalt  }
0x60: {  	_ =	shalt  }
0x61: {  	_ =	shalt  }
0x62: {  	_ =	shalt  }
0x63: {  	_ =	shalt  }
0x64: {  	_ =	shalt  }
0x65: {  	_ =	shalt  }
0x66: {  	_ =	shalt  }
0x67: {  	_ =	shalt  }
0x68: {  	_ =	shalt  }
0x69: {  	_ =	shalt  }
0x6a: {  	_ =	shalt  }
0x6b: {  	_ =	shalt  }
0x6c: {  	_ =	shalt  }
0x6d: {  	_ =	shalt  }
0x6e: {  	_ =	shalt  }
0x6f: {  	_ =	shalt  }
0x70: {  	_ =	shalt  }
0x71: {  	_ =	shalt  }
0x72: {  	_ =	shalt  }
0x73: {  	_ =	shalt  }
0x74: {  	_ =	shalt  }
0x75: {  	_ =	shalt  }
0x76: {  	_ =	shalt  }
0x77: {  	_ =	shalt  }
0x78: {  	_ =	shalt  }
0x79: {  	_ =	shalt  }
0x7a: {  	_ =	shalt  }
0x7b: {  	_ =	shalt  }
0x7c: {  	_ =	shalt  }
0x7d: {  	_ =	shalt  }
0x7e: {  	_ =	shalt  }
0x7f: {  	_ =	shalt  }
0x80: {  	_ =	shalt  }
0x81: {  	_ =	shalt  }
0x82: {  	_ =	shalt  }
0x83: {  	_ =	shalt  }
0x84: {  	_ =	shalt  }
0x85: {  	_ =	shalt  }
0x86: {  	_ =	shalt  }
0x87: {  	_ =	shalt  }
.Lfunc_end0:
.L_simem_size_0:
called_computation_lowered:
.L_overlay_start_0:
0x88: {  	s2 =	sld [smem:$0x3FD9]  }
0x89: {  	s3 =	sld [smem:$0x3FFE];
	_ =	sdelay $0x1  }
0x8a: {  	s1 =	srdreg.scid  }
0x8b: {  	s0 =	sand.u32 $0x1, s1  }
0x8c: {  	s17 =	sshll.u32 s0, $0xA;
	s2 =	sadd.s32 s3, s2  }
0x8d: {  	s2 =	sadd.s32 s2, s17  }
0x8e: {  	[smem:$0x3FC3] =	sst s2  }
0x8f: {  	_ = 	snop  }
0x90: {  	s2 =	sld [smem:$0x3FD0];
	(tm) =	ssettm $0x1  }
0x91: {  	s18 =	sld [smem:$0x3FFB];
	_ =	sdelay $0x3  }
0x92: {  	_ =	strace s18  }
0x93: {  	s3 =	sld [smem:$0x3FFC];
	_ =	sdelay $0x3  }
0x94: {  	_ =	strace s3  }
0x95: {  	s3 =	sld [smem:$0x3FFD];
	_ =	sdelay $0x3  }
0x96: {  	_ =	strace s3  }
0x97: {  	_ =	strace $0x8FFFFFFF  }
0x98: {  	s19 =	sld [smem:$0x3FDB];
	_ =	sdelay $0x1  }
0x99: {  	s4 =	simm.s32 $_scs_section_size  }
0x9a: {  	s5 =	simm.s32 $_size__tile_overlayer_lowered;
	s6 =	simm.s32 $_tile_overlayer_lowered  }
0x9b: {  	s22 =	simm.s32 $0x1BFF;
	s21 =	sshll.u32 s6, $0x1;
	s3 =	sadd.s32 s4, s19  }
0x9c: {  	s7 =	simm.s32 $0x0;
	s20 =	sshll.u32 s5, $0x1;
	s5 =	sadd.s32 s21, s3  }
0x9d: {  	[timem:s7], [sflag:s22] =	dma.local [hbm:s5], s20  }
0x9e: {  	_ =	swait.ge [sflag:s22], s20  }
0x9f: {  	s4 =	ssub.s32 $0x0, s20;
	[sflag:s22] =	ssyncset.done $0x0  }
0xa0: {  	[sflag:s22] =	ssyncadd.s32 s4;
	_ =	sdelay $0x1  }
0xa1: {  	s23 =	simm.s32 $0x1B8B  }
0xa2: {  	_ =	swait.ge [sflag:s23], $0x1  }
0xa3: {  	[sflag:s23] =	ssyncset.done $0x0  }
0xa4: {  	s25 =	simm.s32 $0x1B8E;
	s24 =	sld [smem:$0x3FFE];
	[sflag:s23] =	ssyncadd.s32 $0xFFFFFFFF  }
0xa5: {  	s26 =	simm.s32 $execute0_lowered;
	[smem:$0x3FD2] =	sst s25  }
0xa6: {  	s5 =	sshll.u32 s26, $0x1;
	_ =	strace $0x80000046;
	[dreg:$0x1] =	wrdreg $0xFFFFFFFF  }
0xa7: {  	s28 =	simm.s32 $_size_execute0_lowered;
	s3 =	sadd.s32 s3, s5;
	[dreg:$0x0] =	wrdreg $0x0  }
0xa8: {  	s5 =	sshll.u32 s28, $0x1;
	[dreg:$0x2] =	wrdreg s3  }
0xa9: {  	[dreg:$0x3] =	wrdreg s5  }
0xaa: {  	[dreg:$0x4] =	wrdreg $0xC0  }
0xab: {  	_ =	task [dreg:s7], $0x5FFFF  }
0xac: {  	[dreg:$0x1] =	wrdreg $0xFFFFFFFF  }
0xad: {  	[dreg:$0x0] =	wrdreg $0x60  }
0xae: {  	[dreg:$0x2] =	wrdreg s24  }
0xaf: {  	[dreg:$0x3] =	wrdreg s2  }
0xb0: {  	[dreg:$0x4] =	wrdreg $0x7C800  }
0xb1: {  	[dreg:$0x5] =	wrdreg $0x9  }
0xb2: {  	_ =	task.clear_ibuf [dreg:s7], $0x6FFFF;
	_ =	strace $0x90000046  }
0xb3: {  	s29 =	simm.s32 $0x9;
	_ =	strace $0x80000048  }
0xb4: {  	_ =	swait.ge [sflag:s29], $0x1  }
0xb5: {  	[sflag:s29] =	ssyncadd.s32 $0xFFFFFFFF  }
0xb6: {  	_ =	strace $0x90000048  }
0xb7: {  	_ =	sfence  }
0xb8: {  	s30 =	sld [smem:$0x0];
	_ =	sdelay $0x2  }
0xb9: {  	s31 =	sshll.u32 s1, $0xD;
	s1 =	sshrl.u32 s1, $0x2  }
0xba: {  	s3 =	sand.u32 $0x4000, s31;
	s1 =	sadd.s32 s1, s30  }
0xbb: {  	s0 =	sor.u32 s3, s0;
	s1 =	sshll.u32 s1, $0x11  }
0xbc: {  	s0 =	sor.u32 s1, s0  }
0xbd: {  	s0 =	sadd.s32 $0x8F2B, s0  }
0xbe: {  	[sflag:s0] =	ssyncadd.remote.s32 $0x1  }
0xbf: {  	_ =	sfence.sel $0xFFFF  }
0xc0: {  	[dreg:$0x0] =	wrdreg $0xFFFFFFFF;
	(pc) =	sbr.abs _section_cstart, $3  }
0xc1: {  	[dreg:$0x1] =	wrdreg $0xFFFFFFFF  }
0xc2: {  	_ =	task.clear_ibuf [dreg:s7], $0x2FFFF;
	_ =	strace $0x9FFFFFFF  }
0xc3: {  	(tm) =	ssettm $0x7FFFFFFF  }
tec
execute0_lowered:
.L_overlay_start_1:
0x0: {  	(tag) =	ssettag $0x1  }
0x1: {  	s0 =	rddreg [dreg:$0x0]  }
0x2: {  	s2 =	rddreg [dreg:$0x1];
	s1 =	srdreg.scid  }
0x3: {  	s3 =	rddreg [dreg:$0x2];
	s4 =	stileid.u32;
	s7 =	simm.s32 $0x0  }
0x4: {  	s28 =	simm.s32 $0x8;
	s29 =	simm.s32 $0x280;
	s6 =	smul.u32 $0x14000, s4  }
0x5: {  	s30 =	simm.s32 $0x9;
	s31 =	simm.s32 $0x380;
	s16 =	smul.u32 $0x50000, s4  }
0x6: {  	s1 =	sand.u32 $0x1, s1;
	[smem:$0x7FF] =	sst s7;
	s18 =	smul.u32 $0x2710, s4  }
0x7: {  	s8 =	sadd.s32 $0x139E00, s0;
	s21 =	sshll.u32 s4, $0x6;
	s5 =	smul.u32 $0x140000, s1  }
0x8: {  	s15 =	sshll.u32 s1, $0x4;
	_ =	strace $0x80000047;
	[dreg:$0x4] =	wrdreg s8  }
0x9: {  	s17 =	ssub.s32 $0x2, s1;
	s1 =	smul.u32 $0x27100, s1;
	s7 =	sor.u32 s4, s15  }
0xa: {  	s9 =	sshrl.u32 s17, $0x1;
	s6 =	sadd.s32 s6, s5;
	s5 =	sadd.s32 $0x1600, s0  }
0xb: {  	s7 =	smul.u32 $0x2710, s7;
	s8 =	ssub.s32 s17, s9;
	s1 =	sadd.s32 s18, s1  }
0xc: {  	s17 =	simm.s32 $0x4;
	s9 =	simm.s32 $0x0;
	s6 =	sshrl.u32 s6, $0x3  }
0xd: {  	s23 =	sadd.s32 $0x140, s1;
	s24 =	smax.u32 s8, $0x1;
	s26 =	sadd.s32 $0xF0, s1  }
0xe: {  	s0 =	sadd.s32 s6, s0;
	s7 =	sshrl.u32 s7, $0x3;
	[dreg:$0x9] =	wrdreg s24  }
0xf: {  	s6 =	sshrl.u32 s16, $0x2;
	s25 =	sshrl.u32 s23, $0x3;
	[dreg:$0xc] =	wrdreg s26  }
0x10: {  	s23 =	simm.s32 $0x480;
	s24 =	simm.s32 $0x2;
	s26 =	simm.s32 $0x2C80  }
0x11: {  	s16 =	simm.s32 $0x200;
	s10 =	sadd.s32 s2, s7;
	s6 =	sadd.s32 s6, s3  }
0x12: {  	s7 =	sadd.s32 $0x190, s1;
	s0 =	sadd.s32 $0x13C600, s0;
	s1 =	simm.s32 $0x1  }
0x13: {  	s19 =	sadd.s32 $0xA, s10;
	[dreg:$0x5] =	wrdreg s10;
	s20 =	sadd.s32 $0x14, s10  }
0x14: {  	s10 =	sor.u32 $0x1C0A, s21;
	[dreg:$0x8] =	wrdreg s0;
	s22 =	sshrl.u32 s7, $0x3  }
.Ltmp0:
0x15: {  	s18 =	sshrl.u32 s6, $0x3;
	[dreg:$0x6] =	wrdreg s19;
	(pc) =	sbr.rel .LBB2_1-.Ltmp0, $4  }
0x16: {  	s21 =	simm.s32 $0x50;
	s6 =	simm.s32 $0x5;
	[dreg:$0x7] =	wrdreg s20  }
0x17: {  	s0 =	sadd.s32 s22, s2;
	s19 =	simm.s32 $0xA;
	s20 =	simm.s32 $0x7  }
0x18: {  	s22 =	simm.s32 $0x180;
	[dreg:$0xa] =	wrdreg s0;
	s0 =	sadd.s32 s25, s2  }
0x19: {  	s25 =	simm.s32 $0x300;
	[dreg:$0xb] =	wrdreg s0;
	s0 =	simm.s32 $0x5480  }
.LBB2_14:
0x1a: {  	_ =	swait.ge [sflag:s17], $0x2800  }
0x1b: {  	[sflag:s17] =	ssyncset.done $0x0  }
0x1c: {  	[sflag:s17] =	ssyncadd.s32 $0xFFFFD800  }
0x1d: {  	_ =	swait.ge [sflag:s6], $0x2800  }
0x1e: {  	[sflag:s6] =	ssyncset.done $0x0  }
0x1f: {  	s4 =	simm.s32 $0x6;
	[sflag:s6] =	ssyncadd.s32 $0xFFFFD800  }
0x20: {  	_ =	swait.ge [sflag:s4], $0x2800  }
0x21: {  	[sflag:s4] =	ssyncset.done $0x0  }
0x22: {  	[sflag:s4] =	ssyncadd.s32 $0xFFFFD800  }
0x23: {  	[bflag:$0x0] =	sbarrier.arrive $0xFFFF  }
0x24: {  	s14 =	rddreg [dreg:$0x8]  }
0x25: {  	[hbm:s14], [sflag:s10] =	dma.local [spmem:s18], $0x2800  }
0x26: {  	_ =	swait.ge [sflag:s19], $0x2800  }
0x27: {  	s9 =	sadd.s32 $0x1, s9;
	s15 =	rddreg [dreg:$0x9]  }
0x28: {  	p0 =	sne.s32 s9, s15  }
.Ltmp1:
0x29: {  	_ = 	snop;
	(pc) =	sbr.rel @!p0 .LBB2_15-.Ltmp1, $3  }
0x2a: {  	_ =	sdelay $0x1  }
0x2b: {  	[sflag:s19] =	ssyncset.done $0x0  }
0x2c: {  	[sflag:s19] =	ssyncadd.s32 $0xFFFFD800  }
.LBB2_1:
0x2d: {  	s7 =	rddreg [dreg:$0x5]  }
0x2e: {  	s4 =	simm.s32 $0x0;
	s12 =	rddreg [dreg:$0x6]  }
0x2f: {  	[tilespmem:s4], [sflag:$0x7] =	stream.linear.gather [hbm4b:s7+s4], $0x50, $0x38;
	[tilespmem:$0x1BC80] =	vst v63  }
0x30: {  	s8 =	simm.s32 $0x80;
	s13 =	rddreg [dreg:$0x7]  }
0x31: {  	[tilespmem:s8], [sflag:$0x8] =	stream.linear.gather [hbm4b:s12+s4], $0x50, $0x38;
	[tilespmem:$0x1BC80] =	vst v63  }
0x32: {  	s14 =	simm.s32 $0x100;
	s15 =	rddreg [dreg:$0x4]  }
0x33: {  	[tilespmem:s14], [sflag:$0x9] =	stream.linear.gather [hbm4b:s13+s4], $0x50, $0x38;
	[tilespmem:$0x1BC80] =	vst v63  }
0x34: {  	[spmem:s18], [sflag:s10] =	dma.local [hbm:s15], $0x2800  }
0x35: {  	_ =	swait.ge [sflag:s19], $0x2800  }
0x36: {  	[sflag:s19] =	ssyncset.done $0x0  }
.Ltmp2:
0x37: {  	[sflag:s19] =	ssyncadd.s32 $0xFFFFD800;
	(pc) =	sbr.rel .LBB2_2-.Ltmp2, $4  }
0x38: {  	[bflag:$0x0] =	sbarrier.arrive $0xFFFF  }
0x39: {  	s15 =	rddreg [dreg:$0xc]  }
0x3a: {  	s14 =	rddreg [dreg:$0xb]  }
0x3b: {  	s11 =	simm.s32 $0xFFFFFFFE;
	s7 =	simm.s32 $0x0;
	s13 =	rddreg [dreg:$0xa]  }
.LBB2_11:
0x3c: {  	p0 =	seq.s32 s11, $0xFFFFFFFE  }
0x3d: {  	s4 =	simm.s32 @!p0 $0x6  }
0x3e: {  	_ =	swait.ge @!p0 [sflag:s4], $0x2800  }
0x3f: {  	[sflag:s4] =	ssyncset.done @!p0 $0x0  }
0x40: {  	[sflag:s4] =	ssyncadd.s32 @!p0 $0xFFFFD800  }
0x41: {  	_ =	swait.ge [sflag:s30], $0x50  }
0x42: {  	[sflag:s30] =	ssyncset.done $0x0  }
0x43: {  	[sflag:s30] =	ssyncadd.s32 $0xFFFFFFB0  }
0x44: {  	v0 =	vld [tilespmem:$0x100];
	_ =	sdelay $0x1  }
0x45: {  	v1 =	vld [tilespmem:$0x110];
	_ =	sdelay $0x1  }
0x46: {  	v2 =	vld [tilespmem:$0x120]  }
0x47: {  	v3 =	vshra.s32 v0, $0xE  }
0x48: {  	v54 =	vld [tilespmem:$0x130];
	v0 =	vand.u32 $0x3FFF, v0;
	[tilespmem:$0x380] =	vst v3  }
0x49: {  	v55 =	vshra.s32 v1, $0xE;
	[tilespmem:$0x400] =	vst v0  }
0x4a: {  	v57 =	vld [tilespmem:$0x140];
	v56 =	vand.u32 $0x3FFF, v1;
	[tilespmem:$0x390] =	vst v55  }
0x4b: {  	v58 =	vshra.s32 v2, $0xE;
	[tilespmem:$0x410] =	vst v56  }
0x4c: {  	v59 =	vand.u32 $0x3FFF, v2;
	[tilespmem:$0x3A0] =	vst v58  }
0x4d: {  	v60 =	vshra.s32 v54, $0xE;
	[tilespmem:$0x420] =	vst v59  }
0x4e: {  	v61 =	vand.u32 $0x3FFF, v54;
	[tilespmem:$0x3B0] =	vst v60  }
0x4f: {  	v62 =	vshra.s32 v57, $0xE;
	[tilespmem:$0x430] =	vst v61  }
0x50: {  	v63 =	vand.u32 $0x3FFF, v57;
	[tilespmem:$0x3C0] =	vst v62  }
0x51: {  	p0 =	seq.s32 s11, $0x76;
	[tilespmem:$0x440] =	vst v63  }
0x52: {  	[tilespmem:s0], [sflag:$0x3] =	stream.indirect.gather [hbm4b:s5+s21], $0x80, s31, s21, $0xb8;
	[tilespmem:$0x1BC80] =	vst v63  }
0x53: {  	s4 =	simm.s32 @!p0 $0x0;
	s8 =	simm.s32 @!p0 $0x100  }
0x54: {  	[tilespmem:s8], [sflag:$0x9] =	stream.linear.gather @!p0 [hbm4b:s13+s4], $0x50, $0x38;
	[tilespmem:$0x1BC80] =	vst v63  }
.LBB2_13:
0x55: {  	s11 =	sadd.s32 $0x3, s11  }
0x56: {  	p0 =	sne.s32 s11, $0x7F  }
.Ltmp3:
0x57: {  	_ = 	snop;
	(pc) =	sbr.rel @!p0 .LBB2_14-.Ltmp3, $4  }
0x58: {  	_ =	swait.ge [sflag:s1], $0x2800  }
0x59: {  	s7 =	sadd.s32 $0x1, s7;
	s13 =	sadd.s32 $0x1E, s13;
	[sflag:s1] =	ssyncset.done $0x0  }
0x5a: {  	s14 =	sadd.s32 $0x1E, s14;
	s15 =	sadd.s32 $0xF0, s15;
	[sflag:s1] =	ssyncadd.s32 $0xFFFFD800  }
0x5b: {  	[spmem:s3] =	stream.indirect.scatter.add.f32 [tilespmem:s23], [sflag:$0x4], $0x80, s16, s21, $0xb8;
	[tilespmem:$0x1BC80] =	vst v63  }
.LBB2_2:
0x5c: {  	p0 =	seq.s32 s7, $0x0  }
.Ltmp4:
0x5d: {  	_ = 	snop;
	(pc) =	sbr.rel @p0 .LBB2_5-.Ltmp4, $1  }
0x5e: {  	_ =	sdelay $0x3  }
0x5f: {  	p1 =	seq.s32 s7, $0x2A  }
.Ltmp5:
0x60: {  	_ = 	snop;
	(pc) =	sbr.rel @p1 .LBB2_6-.Ltmp5, $1  }
0x61: {  	_ =	sdelay $0x3  }
0x62: {  	_ =	swait.ge [sflag:s17], $0x2800  }
0x63: {  	[sflag:s17] =	ssyncset.done $0x0  }
0x64: {  	[sflag:s17] =	ssyncadd.s32 $0xFFFFD800  }
.LBB2_5:
0x65: {  	_ =	swait.ge [sflag:s20], $0x50  }
0x66: {  	[sflag:s20] =	ssyncset.done $0x0  }
0x67: {  	[sflag:s20] =	ssyncadd.s32 $0xFFFFFFB0  }
0x68: {  	v0 =	vld [tilespmem:$0x0];
	_ =	sdelay $0x1  }
0x69: {  	v1 =	vld [tilespmem:$0x10];
	_ =	sdelay $0x1  }
0x6a: {  	v2 =	vld [tilespmem:$0x20]  }
0x6b: {  	v3 =	vshra.s32 v0, $0xE  }
0x6c: {  	v54 =	vld [tilespmem:$0x30];
	v0 =	vand.u32 $0x3FFF, v0;
	[tilespmem:$0x180] =	vst v3  }
0x6d: {  	v55 =	vshra.s32 v1, $0xE;
	[tilespmem:$0x200] =	vst v0  }
0x6e: {  	v57 =	vld [tilespmem:$0x40];
	v56 =	vand.u32 $0x3FFF, v1;
	[tilespmem:$0x190] =	vst v55  }
0x6f: {  	v58 =	vshra.s32 v2, $0xE;
	[tilespmem:$0x210] =	vst v56  }
0x70: {  	v59 =	vand.u32 $0x3FFF, v2;
	[tilespmem:$0x1A0] =	vst v58  }
0x71: {  	v60 =	vshra.s32 v54, $0xE;
	[tilespmem:$0x220] =	vst v59  }
0x72: {  	v61 =	vand.u32 $0x3FFF, v54;
	[tilespmem:$0x1B0] =	vst v60  }
0x73: {  	v62 =	vshra.s32 v57, $0xE;
	[tilespmem:$0x230] =	vst v61  }
0x74: {  	p1 =	sgt.u32 s7, $0x28;
	v63 =	vand.u32 $0x3FFF, v57;
	[tilespmem:$0x1C0] =	vst v62  }
0x75: {  	s12 =	sshrl.u32 @!p1 s15, $0x3;
	[tilespmem:$0x240] =	vst v63  }
0x76: {  	[tilespmem:s23], [sflag:$0x1] =	stream.indirect.gather [hbm4b:s5+s21], $0x80, s22, s21, $0xb8;
	[tilespmem:$0x1BC80] =	vst v63  }
0x77: {  	s4 =	simm.s32 @!p1 $0x0;
	s12 =	sadd.s32 @!p1 s2, s12  }
0x78: {  	[tilespmem:s4], [sflag:$0x7] =	stream.linear.gather @!p1 [hbm4b:s12+s4], $0x50, $0x38;
	[tilespmem:$0x1BC80] =	vst v63  }
0x79: {  	p1 =	sgt.u32 s11, $0x7C  }
.Ltmp6:
0x7a: {  	_ = 	snop;
	(pc) =	sbr.rel @p1 .LBB2_7-.Ltmp6, $1  }
0x7b: {  	_ =	sdelay $0x3  }
.LBB2_6:
0x7c: {  	_ =	swait.ge [sflag:s24], $0x2800  }
0x7d: {  	[sflag:s24] =	ssyncset.done $0x0  }
0x7e: {  	[sflag:s24] =	ssyncadd.s32 $0xFFFFD800  }
0x7f: {  	[spmem:s3] =	stream.indirect.scatter.add.f32 [tilespmem:s26], [sflag:$0x5], $0x80, s25, s21, $0xb8;
	[tilespmem:$0x1BC80] =	vst v63  }
.LBB2_7:
.Ltmp7:
0x80: {  	(pc) =	sbr.rel @p0 .LBB2_10-.Ltmp7, $1  }
0x81: {  	_ =	sdelay $0x3  }
0x82: {  	p0 =	seq.s32 s7, $0x2A  }
.Ltmp8:
0x83: {  	_ = 	snop;
	(pc) =	sbr.rel @p0 .LBB2_14-.Ltmp8, $1  }
0x84: {  	_ =	sdelay $0x3  }
0x85: {  	_ =	swait.ge [sflag:s6], $0x2800  }
0x86: {  	[sflag:s6] =	ssyncset.done $0x0  }
0x87: {  	[sflag:s6] =	ssyncadd.s32 $0xFFFFD800  }
.LBB2_10:
0x88: {  	_ =	swait.ge [sflag:s28], $0x50  }
0x89: {  	[sflag:s28] =	ssyncset.done $0x0  }
0x8a: {  	[sflag:s28] =	ssyncadd.s32 $0xFFFFFFB0  }
0x8b: {  	v0 =	vld [tilespmem:$0x80];
	_ =	sdelay $0x1  }
0x8c: {  	v1 =	vld [tilespmem:$0x90];
	_ =	sdelay $0x1  }
0x8d: {  	v2 =	vld [tilespmem:$0xA0]  }
0x8e: {  	v3 =	vshra.s32 v0, $0xE  }
0x8f: {  	v54 =	vld [tilespmem:$0xB0];
	v0 =	vand.u32 $0x3FFF, v0;
	[tilespmem:$0x280] =	vst v3  }
0x90: {  	v55 =	vshra.s32 v1, $0xE;
	[tilespmem:$0x300] =	vst v0  }
0x91: {  	v57 =	vld [tilespmem:$0xC0];
	v56 =	vand.u32 $0x3FFF, v1;
	[tilespmem:$0x290] =	vst v55  }
0x92: {  	v58 =	vshra.s32 v2, $0xE;
	[tilespmem:$0x310] =	vst v56  }
0x93: {  	v59 =	vand.u32 $0x3FFF, v2;
	[tilespmem:$0x2A0] =	vst v58  }
0x94: {  	v60 =	vshra.s32 v54, $0xE;
	[tilespmem:$0x320] =	vst v59  }
0x95: {  	v61 =	vand.u32 $0x3FFF, v54;
	[tilespmem:$0x2B0] =	vst v60  }
0x96: {  	v62 =	vshra.s32 v57, $0xE;
	[tilespmem:$0x330] =	vst v61  }
0x97: {  	v63 =	vand.u32 $0x3FFF, v57;
	[tilespmem:$0x2C0] =	vst v62  }
0x98: {  	p0 =	sgt.u32 s7, $0x28;
	[tilespmem:$0x340] =	vst v63  }
0x99: {  	[tilespmem:s26], [sflag:$0x2] =	stream.indirect.gather [hbm4b:s5+s21], $0x80, s29, s21, $0xb8;
	[tilespmem:$0x1BC80] =	vst v63  }
0x9a: {  	s4 =	simm.s32 @!p0 $0x0;
	s12 =	simm.s32 @!p0 $0x80  }
0x9b: {  	[tilespmem:s12], [sflag:$0x8] =	stream.linear.gather @!p0 [hbm4b:s14+s4], $0x50, $0x38;
	[tilespmem:$0x1BC80] =	vst v63  }
0x9c: {  	s12 =	sadd.s32 $0x1, s11  }
0x9d: {  	p1 =	sgt.u32 s12, $0x7C  }
.Ltmp9:
0x9e: {  	s4 =	simm.s32 @!p1 $0x3;
	(pc) =	sbr.rel @!p0 .LBB2_11-.Ltmp9, $4  }
0x9f: {  	_ =	swait.ge @!p1 [sflag:s4], $0x2800  }
0xa0: {  	s12 =	simm.s32 @!p1 $0x400;
	[sflag:s4] =	ssyncset.done @!p1 $0x0  }
0xa1: {  	s8 =	simm.s32 @!p1 $0x5480;
	[sflag:s4] =	ssyncadd.s32 @!p1 $0xFFFFD800;
	s4 =	simm.s32 @!p1 $0x50  }
0xa2: {  	[spmem:s3] =	stream.indirect.scatter.add.f32 @!p1 [tilespmem:s8], [sflag:$0x6], $0x80, s12, s4, $0xb8;
	[tilespmem:$0x1BC80] =	vst v63  }
0xa3: {  	p0 =	seq.s32 s11, $0x7C  }
.Ltmp10:
0xa4: {  	_ = 	snop;
	(pc) =	sbr.rel @!p0 .LBB2_13-.Ltmp10, $4  }
.Ltmp11:
0xa5: {  	_ = 	snop;
	(pc) =	sbr.rel @p0 .LBB2_14-.Ltmp11, $4  }
0xa6: {  	_ = 	snop  }
0xa7: {  	_ = 	snop  }
0xa8: {  	_ = 	snop  }
0xa9: {  	_ = 	snop  }
.LBB2_15:
0xaa: {  	_ =	sfence.sel $0x180000  }
0xab: {  	[bflag:$0x0] =	sbarrier.arrive $0xFFFF  }
0xac: {  	_ =	strace $0x90000047  }
0xad: {  	s0 =	stileid.u32;
	[bflag:$0x2] =	sbarrier.arrive $0xFFFF  }
0xae: {  	p0 =	sne.s32 s0, $0x0;
	s0 =	rddreg [dreg:$0x3]  }
0xaf: {  	s0 =	sadd.s32 @!p0 $0x100000, s0  }
0xb0: {  	[sflag:s0] =	ssyncadd.tile.s32 @!p0 $0x1;
	_ =	shalt  }
.Lfunc_end2:
_tile_overlayer_lowered:
.L_overlay_start_2:
0xb1: {  	(tag) =	ssettag $0x2  }
0xb2: {  	s0 =	rddreg [dreg:$0x0];
	s2 =	stileid.u32  }
0xb3: {  	s1 =	rddreg [dreg:$0x1];
	p0 =	sne.s32 s2, $0x0  }
0xb4: {  	s3 =	rddreg [dreg:$0x2];
	[bflag:$0x3] =	sbarrier.arrive $0xFFFF;
	s2 =	simm.s32 @!p0 $0x1C0A  }
0xb5: {  	[timem:s3], [sflag:s2] =	dma.local @!p0 [hbm:s0], s1  }
0xb6: {  	s0 =	simm.s32 @!p0 $0xA  }
0xb7: {  	_ =	swait.ge @!p0 [sflag:s0], s1  }
0xb8: {  	s1 =	ssub.s32 @!p0 $0x0, s1;
	[sflag:s0] =	ssyncset.done @!p0 $0x0  }
0xb9: {  	[sflag:s0] =	ssyncadd.s32 @!p0 s1  }
0xba: {  	[bflag:$0x3] =	sbarrier.arrive $0xFFFF  }
0xbb: {  	_ =	shalt  }

</sc_bundles>
